<compile_context>
chip_gen: v7x
topology: tpu7x:2x2x1
jax: 0.10.2.dev20260603
libtpu: 0.0.44.dev20260713+nightly
codegen_flags: <defaults>
</compile_context>

<pallas_src>
import functools

import jax
import jax.numpy as jnp
from jax import lax
from jax.experimental import pallas as pl
from jax.experimental.pallas import tpu as pltpu
from jax.experimental.pallas import tpu_sc as plsc

N_NODES = 10000
N_PAD = 10240
N_EDGES = 320000
NC = 2
NS = 16
NW = NC * NS
E_TILE = N_EDGES // NW
CHUNK = 80
NCHUNK = E_TILE // CHUNK
ROWS_TILE = N_PAD // NS

_MESH = plsc.VectorSubcoreMesh(
    core_axis_name="c", subcore_axis_name="s", num_cores=NC, num_subcores=NS)


def _deg_body(dst_hbm, ones_hbm, zeros_hbm, out_hbm, idx_v, ones_v, acc_sh, sem):
    c = lax.axis_index("c")
    s = lax.axis_index("s")
    wid = c * NS + s
    pltpu.sync_copy(zeros_hbm.at[pl.ds(s * ROWS_TILE, ROWS_TILE)],
                    acc_sh.at[pl.ds(s * ROWS_TILE, ROWS_TILE)])
    pltpu.sync_copy(ones_hbm, ones_v)
    pltpu.sync_copy(dst_hbm.at[wid], idx_v)
    plsc.subcore_barrier()

    def chunk(j, carry):
        pltpu.async_copy(ones_v, acc_sh.at[idx_v.at[j]], sem, add=True).wait()
        return carry

    lax.fori_loop(0, NCHUNK, chunk, 0)
    plsc.subcore_barrier()
    pltpu.sync_copy(acc_sh.at[pl.ds(s * ROWS_TILE, ROWS_TILE)],
                    out_hbm.at[c, pl.ds(s * ROWS_TILE, ROWS_TILE)])


def _make_agg_body(width):
    def _agg_body(h_hbm, src_hbm, dst_hbm, zeros_hbm, out_hbm,
                  idxs_v, idxd_v, rows_v, acc_sh, gsem, ssem):
        c = lax.axis_index("c")
        s = lax.axis_index("s")
        wid = c * NS + s
        pltpu.sync_copy(zeros_hbm.at[pl.ds(s * ROWS_TILE, ROWS_TILE)],
                        acc_sh.at[pl.ds(s * ROWS_TILE, ROWS_TILE)])
        pltpu.sync_copy(src_hbm.at[wid], idxs_v)
        pltpu.sync_copy(dst_hbm.at[wid], idxd_v)
        plsc.subcore_barrier()

        def chunk(j, carry):
            pltpu.async_copy(h_hbm.at[idxs_v.at[j]], rows_v, gsem).wait()
            pltpu.async_copy(rows_v, acc_sh.at[idxd_v.at[j]], ssem,
                             add=True).wait()
            return carry

        lax.fori_loop(0, NCHUNK, chunk, 0)
        plsc.subcore_barrier()
        pltpu.sync_copy(acc_sh.at[pl.ds(s * ROWS_TILE, ROWS_TILE)],
                        out_hbm.at[c, pl.ds(s * ROWS_TILE, ROWS_TILE)])

    return _agg_body


def _sc_degree(dst3, ones8, zeros8):
    return pl.kernel(
        _deg_body,
        out_type=jax.ShapeDtypeStruct((NC, N_PAD, 8), jnp.float32),
        mesh=_MESH,
        compiler_params=pltpu.CompilerParams(use_tc_tiling_on_sc=False),
        scratch_types=[
            pltpu.VMEM((NCHUNK, CHUNK), jnp.int32),
            pltpu.VMEM((CHUNK, 8), jnp.float32),
            pltpu.VMEM_SHARED((N_PAD, 8), jnp.float32),
            pltpu.SemaphoreType.DMA,
        ],
    )(dst3, ones8, zeros8)


def _sc_aggregate(h, src3, dst3, zeros, width):
    return pl.kernel(
        _make_agg_body(width),
        out_type=jax.ShapeDtypeStruct((NC, N_PAD, width), jnp.float32),
        mesh=_MESH,
        compiler_params=pltpu.CompilerParams(use_tc_tiling_on_sc=False),
        scratch_types=[
            pltpu.VMEM((NCHUNK, CHUNK), jnp.int32),
            pltpu.VMEM((NCHUNK, CHUNK), jnp.int32),
            pltpu.VMEM((CHUNK, width), jnp.float32),
            pltpu.VMEM_SHARED((N_PAD, width), jnp.float32),
            pltpu.SemaphoreType.DMA,
            pltpu.SemaphoreType.DMA,
        ],
    )(h, src3, dst3, zeros)



_ROWS_BLK = 640


def _tc_first_body(degp_ref, x_ref, w_ref, hp_ref, dis_ref):
    d = degp_ref[...]
    deg = d[0, :, 0:1] + d[1, :, 0:1] + 1.0
    dis = lax.rsqrt(deg)
    h = jnp.dot(x_ref[...], w_ref[...], preferred_element_type=jnp.float32)
    hp_ref[...] = h * dis
    dis_ref[...] = dis


def _tc_first(degp, x, W1):
    n, f = x.shape
    h = W1.shape[1]
    grid = n // _ROWS_BLK
    return pl.pallas_call(
        _tc_first_body,
        grid=(grid,),
        in_specs=[
            pl.BlockSpec((NC, _ROWS_BLK, 8), lambda i: (0, i, 0)),
            pl.BlockSpec((_ROWS_BLK, f), lambda i: (i, 0)),
            pl.BlockSpec((f, h), lambda i: (0, 0)),
        ],
        out_specs=[
            pl.BlockSpec((_ROWS_BLK, h), lambda i: (i, 0)),
            pl.BlockSpec((_ROWS_BLK, 1), lambda i: (i, 0)),
        ],
        out_shape=[
            jax.ShapeDtypeStruct((n, h), jnp.float32),
            jax.ShapeDtypeStruct((n, 1), jnp.float32),
        ],
    )(degp, x, W1)


def _tc_mid_body(p_ref, hp_ref, dis_ref, b_ref, w_ref, out_ref):
    p = p_ref[...]
    dis = dis_ref[...]
    z = (p[0] + p[1] + hp_ref[...]) * dis + b_ref[...]
    hact = jnp.where(z >= 0.0, z, 0.01 * z)
    out_ref[...] = jnp.dot(hact, w_ref[...],
                           preferred_element_type=jnp.float32) * dis


def _tc_mid(part, hp, dis, b, W):
    n, h = hp.shape
    h2 = W.shape[1]
    grid = n // _ROWS_BLK
    return pl.pallas_call(
        _tc_mid_body,
        grid=(grid,),
        in_specs=[
            pl.BlockSpec((NC, _ROWS_BLK, h), lambda i: (0, i, 0)),
            pl.BlockSpec((_ROWS_BLK, h), lambda i: (i, 0)),
            pl.BlockSpec((_ROWS_BLK, 1), lambda i: (i, 0)),
            pl.BlockSpec((1, h), lambda i: (0, 0)),
            pl.BlockSpec((h, h2), lambda i: (0, 0)),
        ],
        out_specs=pl.BlockSpec((_ROWS_BLK, h2), lambda i: (i, 0)),
        out_shape=jax.ShapeDtypeStruct((n, h2), jnp.float32),
    )(part, hp, dis, b, W)


def _tc_last_body(p_ref, hp_ref, dis_ref, b_ref, out_ref):
    p = p_ref[...]
    z = (p[0, :, 0:1] + p[1, :, 0:1] + hp_ref[:, 0:1]) * dis_ref[...]
    out_ref[...] = z + b_ref[...]


def _tc_last(part8, hp8, dis, b3):
    n = hp8.shape[0]
    grid = n // _ROWS_BLK
    return pl.pallas_call(
        _tc_last_body,
        grid=(grid,),
        in_specs=[
            pl.BlockSpec((NC, _ROWS_BLK, 8), lambda i: (0, i, 0)),
            pl.BlockSpec((_ROWS_BLK, 8), lambda i: (i, 0)),
            pl.BlockSpec((_ROWS_BLK, 1), lambda i: (i, 0)),
            pl.BlockSpec((1, 1), lambda i: (0, 0)),
        ],
        out_specs=pl.BlockSpec((_ROWS_BLK, 1), lambda i: (i, 0)),
        out_shape=jax.ShapeDtypeStruct((n, 1), jnp.float32),
    )(part8, hp8, dis, b3)


def kernel(x, edge_index, W1, b1, W2, b2, W3, b3):
    n, f = x.shape
    assert n == N_NODES and edge_index.shape[1] == N_EDGES
    src3 = edge_index[0].astype(jnp.int32).reshape(NW, NCHUNK, CHUNK)
    dst3 = edge_index[1].astype(jnp.int32).reshape(NW, NCHUNK, CHUNK)
    ones8 = jnp.ones((CHUNK, 8), jnp.float32)
    zeros8 = jnp.zeros((N_PAD, 8), jnp.float32)
    zeros64 = jnp.zeros((N_PAD, 64), jnp.float32)
    w3w = jnp.broadcast_to(W3, (W3.shape[0], 8))
    xp = jnp.pad(x, ((0, N_PAD - n), (0, 0)))

    degp = _sc_degree(dst3, ones8, zeros8)
    h1p, dis = _tc_first(degp, xp, W1)
    part1 = _sc_aggregate(h1p, src3, dst3, zeros64, 64)
    h2p = _tc_mid(part1, h1p, dis, b1.reshape(1, -1), W2)
    part2 = _sc_aggregate(h2p, src3, dst3, zeros64, 64)
    h3p = _tc_mid(part2, h2p, dis, b2.reshape(1, -1), w3w)
    part3 = _sc_aggregate(h3p, src3, dst3, zeros8, 8)
    return _tc_last(part3, h3p, dis, b3.reshape(1, 1))[:n]

# --- scband reference (transcript-rebuilt; emitter-appended) ---
"""Pipeline reference for scband-gnnroute-planner-39926015983752 (READ-ONLY COPY).

The authoritative reference and input builder live on the scoring server;
editing this copy changes nothing except your own understanding.
"""

import jax, jax.numpy as jnp
import numpy as np

N_NODES = 10000
N_EDGES = 320000
IN_CH = 128
HID_CH = 64
OUT_CH = 1


def setup_inputs(seed: int = 0) -> dict:
    key = jax.random.key(seed)
    k1, k2, k3, k4, k5 = jax.random.split(key, 5)
    x = jax.random.normal(k1, (N_NODES, IN_CH), dtype=jnp.float32)
    edge_index = jax.random.randint(k2, (2, N_EDGES), 0, N_NODES, dtype=jnp.int64)
    # learned params (glorot-style scale for weights, zeros for bias, as in PyG GCNConv)
    W1 = jax.random.normal(k3, (IN_CH, HID_CH), dtype=jnp.float32) * (1.0 / np.sqrt(IN_CH))
    b1 = jnp.zeros((HID_CH,), dtype=jnp.float32)
    W2 = jax.random.normal(k4, (HID_CH, HID_CH), dtype=jnp.float32) * (1.0 / np.sqrt(HID_CH))
    b2 = jnp.zeros((HID_CH,), dtype=jnp.float32)
    W3 = jax.random.normal(k5, (HID_CH, OUT_CH), dtype=jnp.float32) * (1.0 / np.sqrt(HID_CH))
    b3 = jnp.zeros((OUT_CH,), dtype=jnp.float32)
    return {"x": x, "edge_index": edge_index, "W1": W1, "b1": b1, "W2": W2, "b2": b2, "W3": W3, "b3": b3}


def _gcn_conv(x, src, dst, W, b, num_nodes):
    # GCNConv: h = x @ W; symmetric normalization with self-loops already in src/dst
    h = x @ W
    deg = jnp.zeros((num_nodes,), dtype=h.dtype).at[dst].add(1.0)
    deg_inv_sqrt = jnp.where(deg > 0, 1.0 / jnp.sqrt(deg), 0.0)
    norm = deg_inv_sqrt[src] * deg_inv_sqrt[dst]
    msg = h[src] * norm[:, None]
    out = jnp.zeros((num_nodes, h.shape[1]), dtype=h.dtype).at[dst].add(msg)
    return out + b


def reference(x, edge_index, W1, b1, W2, b2, W3, b3):
    num_nodes = x.shape[0]
    loop = jnp.arange(num_nodes, dtype=edge_index.dtype)
    src = jnp.concatenate([edge_index[0], loop])
    dst = jnp.concatenate([edge_index[1], loop])
    act = lambda t: jax.nn.leaky_relu(t, negative_slope=0.01)
    h = _gcn_conv(x, src, dst, W1, b1, num_nodes)
    h = act(h)
    h = _gcn_conv(h, src, dst, W2, b2, num_nodes)
    h = act(h)
    h = _gcn_conv(h, src, dst, W3, b3, num_nodes)
    return h

if __name__ == "__main__":
    import jax
    _d = setup_inputs()
    print(jax.jit(kernel)(*tuple(_d.values())))

</pallas_src>

<mosaic_0001>
#map = affine_map<(d0, d1) -> (0, 0)>
#map1 = affine_map<(d0, d1) -> (0, 0, 0)>
module attributes {stable_mosaic.version = 14 : i64} {
  func.func @_agg_body(%arg0: i32, %arg1: i32, %arg2: memref<10240x64xf32, #tpu.memory_space<hbm>>, %arg3: memref<32x125x80xi32, #tpu.memory_space<hbm>>, %arg4: memref<32x125x80xi32, #tpu.memory_space<hbm>>, %arg5: memref<10240x64xf32, #tpu.memory_space<hbm>>, %arg6: memref<2x10240x64xf32, #tpu.memory_space<hbm>>, %arg7: memref<125x80xi32, #tpu.memory_space<vmem>>, %arg8: memref<125x80xi32, #tpu.memory_space<vmem>>, %arg9: memref<80x64xf32, #tpu.memory_space<vmem>>, %arg10: memref<10240x64xf32, #tpu.memory_space<vmem_shared>>, %arg11: memref<!tpu.dma_semaphore, #tpu.memory_space<semaphore_mem>>, %arg12: memref<!tpu.dma_semaphore, #tpu.memory_space<semaphore_mem>>) attributes {dimension_semantics = [#tpu.dimension_semantics<core_parallel>, #tpu.dimension_semantics<subcore_parallel>], iteration_bounds = array<i64: 2, 16>, scalar_prefetch = 0 : i64, scratch_operands = 6 : i64, tpu.core_type = #tpu.core_type<sc_vector_subcore>, window_params = [{transform_indices = #map}, {transform_indices = #map1}, {transform_indices = #map1}, {transform_indices = #map}, {transform_indices = #map1}]} {
    %mul3A = arith.constant 16 : i32
    %mul3A_0 = arith.muli %arg0, %mul3A : i32
    %add3A = arith.addi %mul3A_0, %arg1 : i32
    %mul3A_1 = arith.constant 640 : i32
    %mul3A_2 = arith.muli %arg1, %mul3A_1 : i32
    %mul3A_3 = arith.constant 640 : i32
    %mul3A_4 = arith.muli %arg1, %mul3A_3 : i32
    "tpu.region"() ({
      %run_scoped3A = tpu.sem_alloc : memref<!tpu.dma_semaphore, #tpu.memory_space<semaphore_mem>>
      %dma_start3A = arith.constant 0 : i32
      %dma_start3A_15 = tpu.memref_slice %arg10[%mul3A_4, %dma_start3A] : memref<10240x64xf32, #tpu.memory_space<vmem_shared>> -> memref<640x64xf32, #tpu.memory_space<vmem_shared>>
      %dma_start3A_16 = arith.constant 0 : i32
      %dma_start3A_17 = tpu.memref_slice %arg5[%mul3A_2, %dma_start3A_16] : memref<10240x64xf32, #tpu.memory_space<hbm>> -> memref<640x64xf32, #tpu.memory_space<hbm>>
      tpu.enqueue_dma source(%dma_start3A_17 : memref<640x64xf32, #tpu.memory_space<hbm>>) target(%dma_start3A_15 : memref<640x64xf32, #tpu.memory_space<vmem_shared>>) target_semaphore(%run_scoped3A : memref<!tpu.dma_semaphore, #tpu.memory_space<semaphore_mem>>)
      %dma_wait3A = arith.constant 0 : i32
      %dma_wait3A_18 = tpu.memref_slice %arg10[%mul3A_4, %dma_wait3A] : memref<10240x64xf32, #tpu.memory_space<vmem_shared>> -> memref<640x64xf32, #tpu.memory_space<vmem_shared>>
      %dma_wait3A_19 = arith.constant 0 : i32
      %dma_wait3A_20 = tpu.memref_slice %arg5[%mul3A_2, %dma_wait3A_19] : memref<10240x64xf32, #tpu.memory_space<hbm>> -> memref<640x64xf32, #tpu.memory_space<hbm>>
      tpu.wait_dma2 semaphore(%run_scoped3A : memref<!tpu.dma_semaphore, #tpu.memory_space<semaphore_mem>>) src(%dma_wait3A_20 : memref<640x64xf32, #tpu.memory_space<hbm>>) dst(%dma_wait3A_18 : memref<640x64xf32, #tpu.memory_space<vmem_shared>>)
      tpu.yield
    }) : () -> ()
    "tpu.region"() ({
      %run_scoped3A = tpu.sem_alloc : memref<!tpu.dma_semaphore, #tpu.memory_space<semaphore_mem>>
      %dma_start3A = arith.constant 0 : i32
      %dma_start3A_15 = arith.constant 0 : i32
      %dma_start3A_16 = tpu.memref_slice %arg3[%add3A, %dma_start3A, %dma_start3A_15] : memref<32x125x80xi32, #tpu.memory_space<hbm>> -> memref<1x125x80xi32, #tpu.memory_space<hbm>>
      %dma_start3A_17 = tpu.memref_squeeze %dma_start3A_16 : memref<1x125x80xi32, #tpu.memory_space<hbm>> -> memref<125x80xi32, #tpu.memory_space<hbm>>
      %dma_start3A_18 = arith.constant 0 : i32
      %dma_start3A_19 = arith.constant 0 : i32
      %dma_start3A_20 = tpu.memref_slice %arg3[%add3A, %dma_start3A_18, %dma_start3A_19] : memref<32x125x80xi32, #tpu.memory_space<hbm>> -> memref<1x125x80xi32, #tpu.memory_space<hbm>>
      %dma_start3A_21 = tpu.memref_squeeze %dma_start3A_20 : memref<1x125x80xi32, #tpu.memory_space<hbm>> -> memref<125x80xi32, #tpu.memory_space<hbm>>
      tpu.enqueue_dma source(%dma_start3A_21 : memref<125x80xi32, #tpu.memory_space<hbm>>) target(%arg7 : memref<125x80xi32, #tpu.memory_space<vmem>>) target_semaphore(%run_scoped3A : memref<!tpu.dma_semaphore, #tpu.memory_space<semaphore_mem>>)
      %dma_wait3A = arith.constant 0 : i32
      %dma_wait3A_22 = arith.constant 0 : i32
      %dma_wait3A_23 = tpu.memref_slice %arg3[%add3A, %dma_wait3A, %dma_wait3A_22] : memref<32x125x80xi32, #tpu.memory_space<hbm>> -> memref<1x125x80xi32, #tpu.memory_space<hbm>>
      %dma_wait3A_24 = tpu.memref_squeeze %dma_wait3A_23 : memref<1x125x80xi32, #tpu.memory_space<hbm>> -> memref<125x80xi32, #tpu.memory_space<hbm>>
      %dma_wait3A_25 = arith.constant 0 : i32
      %dma_wait3A_26 = arith.constant 0 : i32
      %dma_wait3A_27 = tpu.memref_slice %arg3[%add3A, %dma_wait3A_25, %dma_wait3A_26] : memref<32x125x80xi32, #tpu.memory_space<hbm>> -> memref<1x125x80xi32, #tpu.memory_space<hbm>>
      %dma_wait3A_28 = tpu.memref_squeeze %dma_wait3A_27 : memref<1x125x80xi32, #tpu.memory_space<hbm>> -> memref<125x80xi32, #tpu.memory_space<hbm>>
      tpu.wait_dma2 semaphore(%run_scoped3A : memref<!tpu.dma_semaphore, #tpu.memory_space<semaphore_mem>>) src(%dma_wait3A_28 : memref<125x80xi32, #tpu.memory_space<hbm>>) dst(%arg7 : memref<125x80xi32, #tpu.memory_space<vmem>>)
      tpu.yield
    }) : () -> ()
    "tpu.region"() ({
      %run_scoped3A = tpu.sem_alloc : memref<!tpu.dma_semaphore, #tpu.memory_space<semaphore_mem>>
      %dma_start3A = arith.constant 0 : i32
      %dma_start3A_15 = arith.constant 0 : i32
      %dma_start3A_16 = tpu.memref_slice %arg4[%add3A, %dma_start3A, %dma_start3A_15] : memref<32x125x80xi32, #tpu.memory_space<hbm>> -> memref<1x125x80xi32, #tpu.memory_space<hbm>>
      %dma_start3A_17 = tpu.memref_squeeze %dma_start3A_16 : memref<1x125x80xi32, #tpu.memory_space<hbm>> -> memref<125x80xi32, #tpu.memory_space<hbm>>
      %dma_start3A_18 = arith.constant 0 : i32
      %dma_start3A_19 = arith.constant 0 : i32
      %dma_start3A_20 = tpu.memref_slice %arg4[%add3A, %dma_start3A_18, %dma_start3A_19] : memref<32x125x80xi32, #tpu.memory_space<hbm>> -> memref<1x125x80xi32, #tpu.memory_space<hbm>>
      %dma_start3A_21 = tpu.memref_squeeze %dma_start3A_20 : memref<1x125x80xi32, #tpu.memory_space<hbm>> -> memref<125x80xi32, #tpu.memory_space<hbm>>
      tpu.enqueue_dma source(%dma_start3A_21 : memref<125x80xi32, #tpu.memory_space<hbm>>) target(%arg8 : memref<125x80xi32, #tpu.memory_space<vmem>>) target_semaphore(%run_scoped3A : memref<!tpu.dma_semaphore, #tpu.memory_space<semaphore_mem>>)
      %dma_wait3A = arith.constant 0 : i32
      %dma_wait3A_22 = arith.constant 0 : i32
      %dma_wait3A_23 = tpu.memref_slice %arg4[%add3A, %dma_wait3A, %dma_wait3A_22] : memref<32x125x80xi32, #tpu.memory_space<hbm>> -> memref<1x125x80xi32, #tpu.memory_space<hbm>>
      %dma_wait3A_24 = tpu.memref_squeeze %dma_wait3A_23 : memref<1x125x80xi32, #tpu.memory_space<hbm>> -> memref<125x80xi32, #tpu.memory_space<hbm>>
      %dma_wait3A_25 = arith.constant 0 : i32
      %dma_wait3A_26 = arith.constant 0 : i32
      %dma_wait3A_27 = tpu.memref_slice %arg4[%add3A, %dma_wait3A_25, %dma_wait3A_26] : memref<32x125x80xi32, #tpu.memory_space<hbm>> -> memref<1x125x80xi32, #tpu.memory_space<hbm>>
      %dma_wait3A_28 = tpu.memref_squeeze %dma_wait3A_27 : memref<1x125x80xi32, #tpu.memory_space<hbm>> -> memref<125x80xi32, #tpu.memory_space<hbm>>
      tpu.wait_dma2 semaphore(%run_scoped3A : memref<!tpu.dma_semaphore, #tpu.memory_space<semaphore_mem>>) src(%dma_wait3A_28 : memref<125x80xi32, #tpu.memory_space<hbm>>) dst(%arg8 : memref<125x80xi32, #tpu.memory_space<vmem>>)
      tpu.yield
    }) : () -> ()
    %barrier3A = arith.constant 0 : index
    tpu.barrier barrier_id(%barrier3A)
    %scan3A = arith.constant 0 : i32
    %scan3A_5 = arith.constant 0 : i32
    %scan3A_6 = arith.constant 125 : i32
    %scan3A_7 = arith.addi %scan3A_5, %scan3A_6 : i32
    %scan3A_8 = arith.constant 1 : i32
    scf.for %scan3A_15 = %scan3A_5 to %scan3A_7 step %scan3A_8  : i32 {
      %dma_start3A = arith.constant 0 : i32
      %dma_start3A_16 = tpu.memref_slice %arg7[%scan3A_15, %dma_start3A] : memref<125x80xi32, #tpu.memory_space<vmem>> -> memref<1x80xi32, #tpu.memory_space<vmem>>
      %dma_start3A_17 = tpu.memref_squeeze %dma_start3A_16 : memref<1x80xi32, #tpu.memory_space<vmem>> -> memref<80xi32, #tpu.memory_space<vmem>>
      %dma_start3A_18 = arith.constant 0 : i32
      %dma_start3A_19 = arith.constant 0 : i32
      %dma_start3A_20 = tpu.memref_slice %arg2[%dma_start3A_18, %dma_start3A_19] : memref<10240x64xf32, #tpu.memory_space<hbm>> -> memref<10240x64xf32, #tpu.memory_space<hbm>>
      tpu.enqueue_indirect_dma source(%dma_start3A_20 : memref<10240x64xf32, #tpu.memory_space<hbm>>) target(%arg9 : memref<80x64xf32, #tpu.memory_space<vmem>>) offsets(%dma_start3A_17 : memref<80xi32, #tpu.memory_space<vmem>>) semaphore(%arg11 : memref<!tpu.dma_semaphore, #tpu.memory_space<semaphore_mem>>)
      %dma_wait3A = arith.constant 0 : i32
      %dma_wait3A_21 = tpu.memref_slice %arg7[%scan3A_15, %dma_wait3A] : memref<125x80xi32, #tpu.memory_space<vmem>> -> memref<1x80xi32, #tpu.memory_space<vmem>>
      %dma_wait3A_22 = tpu.memref_squeeze %dma_wait3A_21 : memref<1x80xi32, #tpu.memory_space<vmem>> -> memref<80xi32, #tpu.memory_space<vmem>>
      %dma_wait3A_23 = arith.constant 0 : i32
      %dma_wait3A_24 = arith.constant 0 : i32
      %dma_wait3A_25 = tpu.memref_slice %arg2[%dma_wait3A_23, %dma_wait3A_24] : memref<10240x64xf32, #tpu.memory_space<hbm>> -> memref<10240x64xf32, #tpu.memory_space<hbm>>
      tpu.wait_indirect_dma semaphore(%arg11 : memref<!tpu.dma_semaphore, #tpu.memory_space<semaphore_mem>>) src(%dma_wait3A_25 : memref<10240x64xf32, #tpu.memory_space<hbm>>) dst(%arg9 : memref<80x64xf32, #tpu.memory_space<vmem>>)
      %dma_start3A_26 = arith.constant 0 : i32
      %dma_start3A_27 = tpu.memref_slice %arg8[%scan3A_15, %dma_start3A_26] : memref<125x80xi32, #tpu.memory_space<vmem>> -> memref<1x80xi32, #tpu.memory_space<vmem>>
      %dma_start3A_28 = tpu.memref_squeeze %dma_start3A_27 : memref<1x80xi32, #tpu.memory_space<vmem>> -> memref<80xi32, #tpu.memory_space<vmem>>
      %dma_start3A_29 = arith.constant 0 : i32
      %dma_start3A_30 = arith.constant 0 : i32
      %dma_start3A_31 = tpu.memref_slice %arg10[%dma_start3A_29, %dma_start3A_30] : memref<10240x64xf32, #tpu.memory_space<vmem_shared>> -> memref<10240x64xf32, #tpu.memory_space<vmem_shared>>
      tpu.enqueue_indirect_dma source(%arg9 : memref<80x64xf32, #tpu.memory_space<vmem>>) target(%dma_start3A_31 : memref<10240x64xf32, #tpu.memory_space<vmem_shared>>) offsets(%dma_start3A_28 : memref<80xi32, #tpu.memory_space<vmem>>) semaphore(%arg12 : memref<!tpu.dma_semaphore, #tpu.memory_space<semaphore_mem>>) {add = true}
      %dma_wait3A_32 = arith.constant 0 : i32
      %dma_wait3A_33 = tpu.memref_slice %arg8[%scan3A_15, %dma_wait3A_32] : memref<125x80xi32, #tpu.memory_space<vmem>> -> memref<1x80xi32, #tpu.memory_space<vmem>>
      %dma_wait3A_34 = tpu.memref_squeeze %dma_wait3A_33 : memref<1x80xi32, #tpu.memory_space<vmem>> -> memref<80xi32, #tpu.memory_space<vmem>>
      %dma_wait3A_35 = arith.constant 0 : i32
      %dma_wait3A_36 = arith.constant 0 : i32
      %dma_wait3A_37 = tpu.memref_slice %arg10[%dma_wait3A_35, %dma_wait3A_36] : memref<10240x64xf32, #tpu.memory_space<vmem_shared>> -> memref<10240x64xf32, #tpu.memory_space<vmem_shared>>
      tpu.wait_indirect_dma semaphore(%arg12 : memref<!tpu.dma_semaphore, #tpu.memory_space<semaphore_mem>>) src(%arg9 : memref<80x64xf32, #tpu.memory_space<vmem>>) dst(%dma_wait3A_37 : memref<10240x64xf32, #tpu.memory_space<vmem_shared>>)
    }
    %scan3A_9 = arith.constant 125 : i32
    %barrier3A_10 = arith.constant 0 : index
    tpu.barrier barrier_id(%barrier3A_10)
    %mul3A_11 = arith.constant 640 : i32
    %mul3A_12 = arith.muli %arg1, %mul3A_11 : i32
    %mul3A_13 = arith.constant 640 : i32
    %mul3A_14 = arith.muli %arg1, %mul3A_13 : i32
    "tpu.region"() ({
      %run_scoped3A = tpu.sem_alloc : memref<!tpu.dma_semaphore, #tpu.memory_space<semaphore_mem>>
      %dma_start3A = arith.constant 0 : i32
      %dma_start3A_15 = tpu.memref_slice %arg6[%arg0, %mul3A_14, %dma_start3A] : memref<2x10240x64xf32, #tpu.memory_space<hbm>> -> memref<1x640x64xf32, #tpu.memory_space<hbm>>
      %dma_start3A_16 = tpu.memref_squeeze %dma_start3A_15 : memref<1x640x64xf32, #tpu.memory_space<hbm>> -> memref<640x64xf32, #tpu.memory_space<hbm>>
      %dma_start3A_17 = arith.constant 0 : i32
      %dma_start3A_18 = tpu.memref_slice %arg10[%mul3A_12, %dma_start3A_17] : memref<10240x64xf32, #tpu.memory_space<vmem_shared>> -> memref<640x64xf32, #tpu.memory_space<vmem_shared>>
      tpu.enqueue_dma source(%dma_start3A_18 : memref<640x64xf32, #tpu.memory_space<vmem_shared>>) target(%dma_start3A_16 : memref<640x64xf32, #tpu.memory_space<hbm>>) target_semaphore(%run_scoped3A : memref<!tpu.dma_semaphore, #tpu.memory_space<semaphore_mem>>)
      %dma_wait3A = arith.constant 0 : i32
      %dma_wait3A_19 = tpu.memref_slice %arg6[%arg0, %mul3A_14, %dma_wait3A] : memref<2x10240x64xf32, #tpu.memory_space<hbm>> -> memref<1x640x64xf32, #tpu.memory_space<hbm>>
      %dma_wait3A_20 = tpu.memref_squeeze %dma_wait3A_19 : memref<1x640x64xf32, #tpu.memory_space<hbm>> -> memref<640x64xf32, #tpu.memory_space<hbm>>
      %dma_wait3A_21 = arith.constant 0 : i32
      %dma_wait3A_22 = tpu.memref_slice %arg10[%mul3A_12, %dma_wait3A_21] : memref<10240x64xf32, #tpu.memory_space<vmem_shared>> -> memref<640x64xf32, #tpu.memory_space<vmem_shared>>
      tpu.wait_dma2 semaphore(%run_scoped3A : memref<!tpu.dma_semaphore, #tpu.memory_space<semaphore_mem>>) src(%dma_wait3A_22 : memref<640x64xf32, #tpu.memory_space<vmem_shared>>) dst(%dma_wait3A_20 : memref<640x64xf32, #tpu.memory_space<hbm>>)
      tpu.yield
    }) : () -> ()
    return
  }
}

#map = affine_map<(d0, d1) -> (0, 0, 0)>
#map1 = affine_map<(d0, d1) -> (0, 0)>
module attributes {stable_mosaic.version = 14 : i64} {
  func.func @_deg_body(%arg0: i32, %arg1: i32, %arg2: memref<32x125x80xi32, #tpu.memory_space<hbm>>, %arg3: memref<80x8xf32, #tpu.memory_space<hbm>>, %arg4: memref<10240x8xf32, #tpu.memory_space<hbm>>, %arg5: memref<2x10240x8xf32, #tpu.memory_space<hbm>>, %arg6: memref<125x80xi32, #tpu.memory_space<vmem>>, %arg7: memref<80x8xf32, #tpu.memory_space<vmem>>, %arg8: memref<10240x8xf32, #tpu.memory_space<vmem_shared>>, %arg9: memref<!tpu.dma_semaphore, #tpu.memory_space<semaphore_mem>>) attributes {dimension_semantics = [#tpu.dimension_semantics<core_parallel>, #tpu.dimension_semantics<subcore_parallel>], iteration_bounds = array<i64: 2, 16>, scalar_prefetch = 0 : i64, scratch_operands = 4 : i64, tpu.core_type = #tpu.core_type<sc_vector_subcore>, window_params = [{transform_indices = #map}, {transform_indices = #map1}, {transform_indices = #map1}, {transform_indices = #map}]} {
    %mul3A = arith.constant 16 : i32
    %mul3A_0 = arith.muli %arg0, %mul3A : i32
    %add3A = arith.addi %mul3A_0, %arg1 : i32
    %mul3A_1 = arith.constant 640 : i32
    %mul3A_2 = arith.muli %arg1, %mul3A_1 : i32
    %mul3A_3 = arith.constant 640 : i32
    %mul3A_4 = arith.muli %arg1, %mul3A_3 : i32
    "tpu.region"() ({
      %run_scoped3A = tpu.sem_alloc : memref<!tpu.dma_semaphore, #tpu.memory_space<semaphore_mem>>
      %dma_start3A = arith.constant 0 : i32
      %dma_start3A_15 = tpu.memref_slice %arg8[%mul3A_4, %dma_start3A] : memref<10240x8xf32, #tpu.memory_space<vmem_shared>> -> memref<640x8xf32, #tpu.memory_space<vmem_shared>>
      %dma_start3A_16 = arith.constant 0 : i32
      %dma_start3A_17 = tpu.memref_slice %arg4[%mul3A_2, %dma_start3A_16] : memref<10240x8xf32, #tpu.memory_space<hbm>> -> memref<640x8xf32, #tpu.memory_space<hbm>>
      tpu.enqueue_dma source(%dma_start3A_17 : memref<640x8xf32, #tpu.memory_space<hbm>>) target(%dma_start3A_15 : memref<640x8xf32, #tpu.memory_space<vmem_shared>>) target_semaphore(%run_scoped3A : memref<!tpu.dma_semaphore, #tpu.memory_space<semaphore_mem>>)
      %dma_wait3A = arith.constant 0 : i32
      %dma_wait3A_18 = tpu.memref_slice %arg8[%mul3A_4, %dma_wait3A] : memref<10240x8xf32, #tpu.memory_space<vmem_shared>> -> memref<640x8xf32, #tpu.memory_space<vmem_shared>>
      %dma_wait3A_19 = arith.constant 0 : i32
      %dma_wait3A_20 = tpu.memref_slice %arg4[%mul3A_2, %dma_wait3A_19] : memref<10240x8xf32, #tpu.memory_space<hbm>> -> memref<640x8xf32, #tpu.memory_space<hbm>>
      tpu.wait_dma2 semaphore(%run_scoped3A : memref<!tpu.dma_semaphore, #tpu.memory_space<semaphore_mem>>) src(%dma_wait3A_20 : memref<640x8xf32, #tpu.memory_space<hbm>>) dst(%dma_wait3A_18 : memref<640x8xf32, #tpu.memory_space<vmem_shared>>)
      tpu.yield
    }) : () -> ()
    "tpu.region"() ({
      %run_scoped3A = tpu.sem_alloc : memref<!tpu.dma_semaphore, #tpu.memory_space<semaphore_mem>>
      tpu.enqueue_dma source(%arg3 : memref<80x8xf32, #tpu.memory_space<hbm>>) target(%arg7 : memref<80x8xf32, #tpu.memory_space<vmem>>) target_semaphore(%run_scoped3A : memref<!tpu.dma_semaphore, #tpu.memory_space<semaphore_mem>>)
      tpu.wait_dma2 semaphore(%run_scoped3A : memref<!tpu.dma_semaphore, #tpu.memory_space<semaphore_mem>>) src(%arg3 : memref<80x8xf32, #tpu.memory_space<hbm>>) dst(%arg7 : memref<80x8xf32, #tpu.memory_space<vmem>>)
      tpu.yield
    }) : () -> ()
    "tpu.region"() ({
      %run_scoped3A = tpu.sem_alloc : memref<!tpu.dma_semaphore, #tpu.memory_space<semaphore_mem>>
      %dma_start3A = arith.constant 0 : i32
      %dma_start3A_15 = arith.constant 0 : i32
      %dma_start3A_16 = tpu.memref_slice %arg2[%add3A, %dma_start3A, %dma_start3A_15] : memref<32x125x80xi32, #tpu.memory_space<hbm>> -> memref<1x125x80xi32, #tpu.memory_space<hbm>>
      %dma_start3A_17 = tpu.memref_squeeze %dma_start3A_16 : memref<1x125x80xi32, #tpu.memory_space<hbm>> -> memref<125x80xi32, #tpu.memory_space<hbm>>
      %dma_start3A_18 = arith.constant 0 : i32
      %dma_start3A_19 = arith.constant 0 : i32
      %dma_start3A_20 = tpu.memref_slice %arg2[%add3A, %dma_start3A_18, %dma_start3A_19] : memref<32x125x80xi32, #tpu.memory_space<hbm>> -> memref<1x125x80xi32, #tpu.memory_space<hbm>>
      %dma_start3A_21 = tpu.memref_squeeze %dma_start3A_20 : memref<1x125x80xi32, #tpu.memory_space<hbm>> -> memref<125x80xi32, #tpu.memory_space<hbm>>
      tpu.enqueue_dma source(%dma_start3A_21 : memref<125x80xi32, #tpu.memory_space<hbm>>) target(%arg6 : memref<125x80xi32, #tpu.memory_space<vmem>>) target_semaphore(%run_scoped3A : memref<!tpu.dma_semaphore, #tpu.memory_space<semaphore_mem>>)
      %dma_wait3A = arith.constant 0 : i32
      %dma_wait3A_22 = arith.constant 0 : i32
      %dma_wait3A_23 = tpu.memref_slice %arg2[%add3A, %dma_wait3A, %dma_wait3A_22] : memref<32x125x80xi32, #tpu.memory_space<hbm>> -> memref<1x125x80xi32, #tpu.memory_space<hbm>>
      %dma_wait3A_24 = tpu.memref_squeeze %dma_wait3A_23 : memref<1x125x80xi32, #tpu.memory_space<hbm>> -> memref<125x80xi32, #tpu.memory_space<hbm>>
      %dma_wait3A_25 = arith.constant 0 : i32
      %dma_wait3A_26 = arith.constant 0 : i32
      %dma_wait3A_27 = tpu.memref_slice %arg2[%add3A, %dma_wait3A_25, %dma_wait3A_26] : memref<32x125x80xi32, #tpu.memory_space<hbm>> -> memref<1x125x80xi32, #tpu.memory_space<hbm>>
      %dma_wait3A_28 = tpu.memref_squeeze %dma_wait3A_27 : memref<1x125x80xi32, #tpu.memory_space<hbm>> -> memref<125x80xi32, #tpu.memory_space<hbm>>
      tpu.wait_dma2 semaphore(%run_scoped3A : memref<!tpu.dma_semaphore, #tpu.memory_space<semaphore_mem>>) src(%dma_wait3A_28 : memref<125x80xi32, #tpu.memory_space<hbm>>) dst(%arg6 : memref<125x80xi32, #tpu.memory_space<vmem>>)
      tpu.yield
    }) : () -> ()
    %barrier3A = arith.constant 0 : index
    tpu.barrier barrier_id(%barrier3A)
    %scan3A = arith.constant 0 : i32
    %scan3A_5 = arith.constant 0 : i32
    %scan3A_6 = arith.constant 125 : i32
    %scan3A_7 = arith.addi %scan3A_5, %scan3A_6 : i32
    %scan3A_8 = arith.constant 1 : i32
    scf.for %scan3A_15 = %scan3A_5 to %scan3A_7 step %scan3A_8  : i32 {
      %dma_start3A = arith.constant 0 : i32
      %dma_start3A_16 = tpu.memref_slice %arg6[%scan3A_15, %dma_start3A] : memref<125x80xi32, #tpu.memory_space<vmem>> -> memref<1x80xi32, #tpu.memory_space<vmem>>
      %dma_start3A_17 = tpu.memref_squeeze %dma_start3A_16 : memref<1x80xi32, #tpu.memory_space<vmem>> -> memref<80xi32, #tpu.memory_space<vmem>>
      %dma_start3A_18 = arith.constant 0 : i32
      %dma_start3A_19 = arith.constant 0 : i32
      %dma_start3A_20 = tpu.memref_slice %arg8[%dma_start3A_18, %dma_start3A_19] : memref<10240x8xf32, #tpu.memory_space<vmem_shared>> -> memref<10240x8xf32, #tpu.memory_space<vmem_shared>>
      tpu.enqueue_indirect_dma source(%arg7 : memref<80x8xf32, #tpu.memory_space<vmem>>) target(%dma_start3A_20 : memref<10240x8xf32, #tpu.memory_space<vmem_shared>>) offsets(%dma_start3A_17 : memref<80xi32, #tpu.memory_space<vmem>>) semaphore(%arg9 : memref<!tpu.dma_semaphore, #tpu.memory_space<semaphore_mem>>) {add = true}
      %dma_wait3A = arith.constant 0 : i32
      %dma_wait3A_21 = tpu.memref_slice %arg6[%scan3A_15, %dma_wait3A] : memref<125x80xi32, #tpu.memory_space<vmem>> -> memref<1x80xi32, #tpu.memory_space<vmem>>
      %dma_wait3A_22 = tpu.memref_squeeze %dma_wait3A_21 : memref<1x80xi32, #tpu.memory_space<vmem>> -> memref<80xi32, #tpu.memory_space<vmem>>
      %dma_wait3A_23 = arith.constant 0 : i32
      %dma_wait3A_24 = arith.constant 0 : i32
      %dma_wait3A_25 = tpu.memref_slice %arg8[%dma_wait3A_23, %dma_wait3A_24] : memref<10240x8xf32, #tpu.memory_space<vmem_shared>> -> memref<10240x8xf32, #tpu.memory_space<vmem_shared>>
      tpu.wait_indirect_dma semaphore(%arg9 : memref<!tpu.dma_semaphore, #tpu.memory_space<semaphore_mem>>) src(%arg7 : memref<80x8xf32, #tpu.memory_space<vmem>>) dst(%dma_wait3A_25 : memref<10240x8xf32, #tpu.memory_space<vmem_shared>>)
    }
    %scan3A_9 = arith.constant 125 : i32
    %barrier3A_10 = arith.constant 0 : index
    tpu.barrier barrier_id(%barrier3A_10)
    %mul3A_11 = arith.constant 640 : i32
    %mul3A_12 = arith.muli %arg1, %mul3A_11 : i32
    %mul3A_13 = arith.constant 640 : i32
    %mul3A_14 = arith.muli %arg1, %mul3A_13 : i32
    "tpu.region"() ({
      %run_scoped3A = tpu.sem_alloc : memref<!tpu.dma_semaphore, #tpu.memory_space<semaphore_mem>>
      %dma_start3A = arith.constant 0 : i32
      %dma_start3A_15 = tpu.memref_slice %arg5[%arg0, %mul3A_14, %dma_start3A] : memref<2x10240x8xf32, #tpu.memory_space<hbm>> -> memref<1x640x8xf32, #tpu.memory_space<hbm>>
      %dma_start3A_16 = tpu.memref_squeeze %dma_start3A_15 : memref<1x640x8xf32, #tpu.memory_space<hbm>> -> memref<640x8xf32, #tpu.memory_space<hbm>>
      %dma_start3A_17 = arith.constant 0 : i32
      %dma_start3A_18 = tpu.memref_slice %arg8[%mul3A_12, %dma_start3A_17] : memref<10240x8xf32, #tpu.memory_space<vmem_shared>> -> memref<640x8xf32, #tpu.memory_space<vmem_shared>>
      tpu.enqueue_dma source(%dma_start3A_18 : memref<640x8xf32, #tpu.memory_space<vmem_shared>>) target(%dma_start3A_16 : memref<640x8xf32, #tpu.memory_space<hbm>>) target_semaphore(%run_scoped3A : memref<!tpu.dma_semaphore, #tpu.memory_space<semaphore_mem>>)
      %dma_wait3A = arith.constant 0 : i32
      %dma_wait3A_19 = tpu.memref_slice %arg5[%arg0, %mul3A_14, %dma_wait3A] : memref<2x10240x8xf32, #tpu.memory_space<hbm>> -> memref<1x640x8xf32, #tpu.memory_space<hbm>>
      %dma_wait3A_20 = tpu.memref_squeeze %dma_wait3A_19 : memref<1x640x8xf32, #tpu.memory_space<hbm>> -> memref<640x8xf32, #tpu.memory_space<hbm>>
      %dma_wait3A_21 = arith.constant 0 : i32
      %dma_wait3A_22 = tpu.memref_slice %arg8[%mul3A_12, %dma_wait3A_21] : memref<10240x8xf32, #tpu.memory_space<vmem_shared>> -> memref<640x8xf32, #tpu.memory_space<vmem_shared>>
      tpu.wait_dma2 semaphore(%run_scoped3A : memref<!tpu.dma_semaphore, #tpu.memory_space<semaphore_mem>>) src(%dma_wait3A_22 : memref<640x8xf32, #tpu.memory_space<vmem_shared>>) dst(%dma_wait3A_20 : memref<640x8xf32, #tpu.memory_space<hbm>>)
      tpu.yield
    }) : () -> ()
    return
  }
}

#map = affine_map<(d0, d1) -> (0, 0)>
#map1 = affine_map<(d0, d1) -> (0, 0, 0)>
module attributes {stable_mosaic.version = 14 : i64} {
  func.func @_agg_body(%arg0: i32, %arg1: i32, %arg2: memref<10240x8xf32, #tpu.memory_space<hbm>>, %arg3: memref<32x125x80xi32, #tpu.memory_space<hbm>>, %arg4: memref<32x125x80xi32, #tpu.memory_space<hbm>>, %arg5: memref<10240x8xf32, #tpu.memory_space<hbm>>, %arg6: memref<2x10240x8xf32, #tpu.memory_space<hbm>>, %arg7: memref<125x80xi32, #tpu.memory_space<vmem>>, %arg8: memref<125x80xi32, #tpu.memory_space<vmem>>, %arg9: memref<80x8xf32, #tpu.memory_space<vmem>>, %arg10: memref<10240x8xf32, #tpu.memory_space<vmem_shared>>, %arg11: memref<!tpu.dma_semaphore, #tpu.memory_space<semaphore_mem>>, %arg12: memref<!tpu.dma_semaphore, #tpu.memory_space<semaphore_mem>>) attributes {dimension_semantics = [#tpu.dimension_semantics<core_parallel>, #tpu.dimension_semantics<subcore_parallel>], iteration_bounds = array<i64: 2, 16>, scalar_prefetch = 0 : i64, scratch_operands = 6 : i64, tpu.core_type = #tpu.core_type<sc_vector_subcore>, window_params = [{transform_indices = #map}, {transform_indices = #map1}, {transform_indices = #map1}, {transform_indices = #map}, {transform_indices = #map1}]} {
    %mul3A = arith.constant 16 : i32
    %mul3A_0 = arith.muli %arg0, %mul3A : i32
    %add3A = arith.addi %mul3A_0, %arg1 : i32
    %mul3A_1 = arith.constant 640 : i32
    %mul3A_2 = arith.muli %arg1, %mul3A_1 : i32
    %mul3A_3 = arith.constant 640 : i32
    %mul3A_4 = arith.muli %arg1, %mul3A_3 : i32
    "tpu.region"() ({
      %run_scoped3A = tpu.sem_alloc : memref<!tpu.dma_semaphore, #tpu.memory_space<semaphore_mem>>
      %dma_start3A = arith.constant 0 : i32
      %dma_start3A_15 = tpu.memref_slice %arg10[%mul3A_4, %dma_start3A] : memref<10240x8xf32, #tpu.memory_space<vmem_shared>> -> memref<640x8xf32, #tpu.memory_space<vmem_shared>>
      %dma_start3A_16 = arith.constant 0 : i32
      %dma_start3A_17 = tpu.memref_slice %arg5[%mul3A_2, %dma_start3A_16] : memref<10240x8xf32, #tpu.memory_space<hbm>> -> memref<640x8xf32, #tpu.memory_space<hbm>>
      tpu.enqueue_dma source(%dma_start3A_17 : memref<640x8xf32, #tpu.memory_space<hbm>>) target(%dma_start3A_15 : memref<640x8xf32, #tpu.memory_space<vmem_shared>>) target_semaphore(%run_scoped3A : memref<!tpu.dma_semaphore, #tpu.memory_space<semaphore_mem>>)
      %dma_wait3A = arith.constant 0 : i32
      %dma_wait3A_18 = tpu.memref_slice %arg10[%mul3A_4, %dma_wait3A] : memref<10240x8xf32, #tpu.memory_space<vmem_shared>> -> memref<640x8xf32, #tpu.memory_space<vmem_shared>>
      %dma_wait3A_19 = arith.constant 0 : i32
      %dma_wait3A_20 = tpu.memref_slice %arg5[%mul3A_2, %dma_wait3A_19] : memref<10240x8xf32, #tpu.memory_space<hbm>> -> memref<640x8xf32, #tpu.memory_space<hbm>>
      tpu.wait_dma2 semaphore(%run_scoped3A : memref<!tpu.dma_semaphore, #tpu.memory_space<semaphore_mem>>) src(%dma_wait3A_20 : memref<640x8xf32, #tpu.memory_space<hbm>>) dst(%dma_wait3A_18 : memref<640x8xf32, #tpu.memory_space<vmem_shared>>)
      tpu.yield
    }) : () -> ()
    "tpu.region"() ({
      %run_scoped3A = tpu.sem_alloc : memref<!tpu.dma_semaphore, #tpu.memory_space<semaphore_mem>>
      %dma_start3A = arith.constant 0 : i32
      %dma_start3A_15 = arith.constant 0 : i32
      %dma_start3A_16 = tpu.memref_slice %arg3[%add3A, %dma_start3A, %dma_start3A_15] : memref<32x125x80xi32, #tpu.memory_space<hbm>> -> memref<1x125x80xi32, #tpu.memory_space<hbm>>
      %dma_start3A_17 = tpu.memref_squeeze %dma_start3A_16 : memref<1x125x80xi32, #tpu.memory_space<hbm>> -> memref<125x80xi32, #tpu.memory_space<hbm>>
      %dma_start3A_18 = arith.constant 0 : i32
      %dma_start3A_19 = arith.constant 0 : i32
      %dma_start3A_20 = tpu.memref_slice %arg3[%add3A, %dma_start3A_18, %dma_start3A_19] : memref<32x125x80xi32, #tpu.memory_space<hbm>> -> memref<1x125x80xi32, #tpu.memory_space<hbm>>
      %dma_start3A_21 = tpu.memref_squeeze %dma_start3A_20 : memref<1x125x80xi32, #tpu.memory_space<hbm>> -> memref<125x80xi32, #tpu.memory_space<hbm>>
      tpu.enqueue_dma source(%dma_start3A_21 : memref<125x80xi32, #tpu.memory_space<hbm>>) target(%arg7 : memref<125x80xi32, #tpu.memory_space<vmem>>) target_semaphore(%run_scoped3A : memref<!tpu.dma_semaphore, #tpu.memory_space<semaphore_mem>>)
      %dma_wait3A = arith.constant 0 : i32
      %dma_wait3A_22 = arith.constant 0 : i32
      %dma_wait3A_23 = tpu.memref_slice %arg3[%add3A, %dma_wait3A, %dma_wait3A_22] : memref<32x125x80xi32, #tpu.memory_space<hbm>> -> memref<1x125x80xi32, #tpu.memory_space<hbm>>
      %dma_wait3A_24 = tpu.memref_squeeze %dma_wait3A_23 : memref<1x125x80xi32, #tpu.memory_space<hbm>> -> memref<125x80xi32, #tpu.memory_space<hbm>>
      %dma_wait3A_25 = arith.constant 0 : i32
      %dma_wait3A_26 = arith.constant 0 : i32
      %dma_wait3A_27 = tpu.memref_slice %arg3[%add3A, %dma_wait3A_25, %dma_wait3A_26] : memref<32x125x80xi32, #tpu.memory_space<hbm>> -> memref<1x125x80xi32, #tpu.memory_space<hbm>>
      %dma_wait3A_28 = tpu.memref_squeeze %dma_wait3A_27 : memref<1x125x80xi32, #tpu.memory_space<hbm>> -> memref<125x80xi32, #tpu.memory_space<hbm>>
      tpu.wait_dma2 semaphore(%run_scoped3A : memref<!tpu.dma_semaphore, #tpu.memory_space<semaphore_mem>>) src(%dma_wait3A_28 : memref<125x80xi32, #tpu.memory_space<hbm>>) dst(%arg7 : memref<125x80xi32, #tpu.memory_space<vmem>>)
      tpu.yield
    }) : () -> ()
    "tpu.region"() ({
      %run_scoped3A = tpu.sem_alloc : memref<!tpu.dma_semaphore, #tpu.memory_space<semaphore_mem>>
      %dma_start3A = arith.constant 0 : i32
      %dma_start3A_15 = arith.constant 0 : i32
      %dma_start3A_16 = tpu.memref_slice %arg4[%add3A, %dma_start3A, %dma_start3A_15] : memref<32x125x80xi32, #tpu.memory_space<hbm>> -> memref<1x125x80xi32, #tpu.memory_space<hbm>>
      %dma_start3A_17 = tpu.memref_squeeze %dma_start3A_16 : memref<1x125x80xi32, #tpu.memory_space<hbm>> -> memref<125x80xi32, #tpu.memory_space<hbm>>
      %dma_start3A_18 = arith.constant 0 : i32
      %dma_start3A_19 = arith.constant 0 : i32
      %dma_start3A_20 = tpu.memref_slice %arg4[%add3A, %dma_start3A_18, %dma_start3A_19] : memref<32x125x80xi32, #tpu.memory_space<hbm>> -> memref<1x125x80xi32, #tpu.memory_space<hbm>>
      %dma_start3A_21 = tpu.memref_squeeze %dma_start3A_20 : memref<1x125x80xi32, #tpu.memory_space<hbm>> -> memref<125x80xi32, #tpu.memory_space<hbm>>
      tpu.enqueue_dma source(%dma_start3A_21 : memref<125x80xi32, #tpu.memory_space<hbm>>) target(%arg8 : memref<125x80xi32, #tpu.memory_space<vmem>>) target_semaphore(%run_scoped3A : memref<!tpu.dma_semaphore, #tpu.memory_space<semaphore_mem>>)
      %dma_wait3A = arith.constant 0 : i32
      %dma_wait3A_22 = arith.constant 0 : i32
      %dma_wait3A_23 = tpu.memref_slice %arg4[%add3A, %dma_wait3A, %dma_wait3A_22] : memref<32x125x80xi32, #tpu.memory_space<hbm>> -> memref<1x125x80xi32, #tpu.memory_space<hbm>>
      %dma_wait3A_24 = tpu.memref_squeeze %dma_wait3A_23 : memref<1x125x80xi32, #tpu.memory_space<hbm>> -> memref<125x80xi32, #tpu.memory_space<hbm>>
      %dma_wait3A_25 = arith.constant 0 : i32
      %dma_wait3A_26 = arith.constant 0 : i32
      %dma_wait3A_27 = tpu.memref_slice %arg4[%add3A, %dma_wait3A_25, %dma_wait3A_26] : memref<32x125x80xi32, #tpu.memory_space<hbm>> -> memref<1x125x80xi32, #tpu.memory_space<hbm>>
      %dma_wait3A_28 = tpu.memref_squeeze %dma_wait3A_27 : memref<1x125x80xi32, #tpu.memory_space<hbm>> -> memref<125x80xi32, #tpu.memory_space<hbm>>
      tpu.wait_dma2 semaphore(%run_scoped3A : memref<!tpu.dma_semaphore, #tpu.memory_space<semaphore_mem>>) src(%dma_wait3A_28 : memref<125x80xi32, #tpu.memory_space<hbm>>) dst(%arg8 : memref<125x80xi32, #tpu.memory_space<vmem>>)
      tpu.yield
    }) : () -> ()
    %barrier3A = arith.constant 0 : index
    tpu.barrier barrier_id(%barrier3A)
    %scan3A = arith.constant 0 : i32
    %scan3A_5 = arith.constant 0 : i32
    %scan3A_6 = arith.constant 125 : i32
    %scan3A_7 = arith.addi %scan3A_5, %scan3A_6 : i32
    %scan3A_8 = arith.constant 1 : i32
    scf.for %scan3A_15 = %scan3A_5 to %scan3A_7 step %scan3A_8  : i32 {
      %dma_start3A = arith.constant 0 : i32
      %dma_start3A_16 = tpu.memref_slice %arg7[%scan3A_15, %dma_start3A] : memref<125x80xi32, #tpu.memory_space<vmem>> -> memref<1x80xi32, #tpu.memory_space<vmem>>
      %dma_start3A_17 = tpu.memref_squeeze %dma_start3A_16 : memref<1x80xi32, #tpu.memory_space<vmem>> -> memref<80xi32, #tpu.memory_space<vmem>>
      %dma_start3A_18 = arith.constant 0 : i32
      %dma_start3A_19 = arith.constant 0 : i32
      %dma_start3A_20 = tpu.memref_slice %arg2[%dma_start3A_18, %dma_start3A_19] : memref<10240x8xf32, #tpu.memory_space<hbm>> -> memref<10240x8xf32, #tpu.memory_space<hbm>>
      tpu.enqueue_indirect_dma source(%dma_start3A_20 : memref<10240x8xf32, #tpu.memory_space<hbm>>) target(%arg9 : memref<80x8xf32, #tpu.memory_space<vmem>>) offsets(%dma_start3A_17 : memref<80xi32, #tpu.memory_space<vmem>>) semaphore(%arg11 : memref<!tpu.dma_semaphore, #tpu.memory_space<semaphore_mem>>)
      %dma_wait3A = arith.constant 0 : i32
      %dma_wait3A_21 = tpu.memref_slice %arg7[%scan3A_15, %dma_wait3A] : memref<125x80xi32, #tpu.memory_space<vmem>> -> memref<1x80xi32, #tpu.memory_space<vmem>>
      %dma_wait3A_22 = tpu.memref_squeeze %dma_wait3A_21 : memref<1x80xi32, #tpu.memory_space<vmem>> -> memref<80xi32, #tpu.memory_space<vmem>>
      %dma_wait3A_23 = arith.constant 0 : i32
      %dma_wait3A_24 = arith.constant 0 : i32
      %dma_wait3A_25 = tpu.memref_slice %arg2[%dma_wait3A_23, %dma_wait3A_24] : memref<10240x8xf32, #tpu.memory_space<hbm>> -> memref<10240x8xf32, #tpu.memory_space<hbm>>
      tpu.wait_indirect_dma semaphore(%arg11 : memref<!tpu.dma_semaphore, #tpu.memory_space<semaphore_mem>>) src(%dma_wait3A_25 : memref<10240x8xf32, #tpu.memory_space<hbm>>) dst(%arg9 : memref<80x8xf32, #tpu.memory_space<vmem>>)
      %dma_start3A_26 = arith.constant 0 : i32
      %dma_start3A_27 = tpu.memref_slice %arg8[%scan3A_15, %dma_start3A_26] : memref<125x80xi32, #tpu.memory_space<vmem>> -> memref<1x80xi32, #tpu.memory_space<vmem>>
      %dma_start3A_28 = tpu.memref_squeeze %dma_start3A_27 : memref<1x80xi32, #tpu.memory_space<vmem>> -> memref<80xi32, #tpu.memory_space<vmem>>
      %dma_start3A_29 = arith.constant 0 : i32
      %dma_start3A_30 = arith.constant 0 : i32
      %dma_start3A_31 = tpu.memref_slice %arg10[%dma_start3A_29, %dma_start3A_30] : memref<10240x8xf32, #tpu.memory_space<vmem_shared>> -> memref<10240x8xf32, #tpu.memory_space<vmem_shared>>
      tpu.enqueue_indirect_dma source(%arg9 : memref<80x8xf32, #tpu.memory_space<vmem>>) target(%dma_start3A_31 : memref<10240x8xf32, #tpu.memory_space<vmem_shared>>) offsets(%dma_start3A_28 : memref<80xi32, #tpu.memory_space<vmem>>) semaphore(%arg12 : memref<!tpu.dma_semaphore, #tpu.memory_space<semaphore_mem>>) {add = true}
      %dma_wait3A_32 = arith.constant 0 : i32
      %dma_wait3A_33 = tpu.memref_slice %arg8[%scan3A_15, %dma_wait3A_32] : memref<125x80xi32, #tpu.memory_space<vmem>> -> memref<1x80xi32, #tpu.memory_space<vmem>>
      %dma_wait3A_34 = tpu.memref_squeeze %dma_wait3A_33 : memref<1x80xi32, #tpu.memory_space<vmem>> -> memref<80xi32, #tpu.memory_space<vmem>>
      %dma_wait3A_35 = arith.constant 0 : i32
      %dma_wait3A_36 = arith.constant 0 : i32
      %dma_wait3A_37 = tpu.memref_slice %arg10[%dma_wait3A_35, %dma_wait3A_36] : memref<10240x8xf32, #tpu.memory_space<vmem_shared>> -> memref<10240x8xf32, #tpu.memory_space<vmem_shared>>
      tpu.wait_indirect_dma semaphore(%arg12 : memref<!tpu.dma_semaphore, #tpu.memory_space<semaphore_mem>>) src(%arg9 : memref<80x8xf32, #tpu.memory_space<vmem>>) dst(%dma_wait3A_37 : memref<10240x8xf32, #tpu.memory_space<vmem_shared>>)
    }
    %scan3A_9 = arith.constant 125 : i32
    %barrier3A_10 = arith.constant 0 : index
    tpu.barrier barrier_id(%barrier3A_10)
    %mul3A_11 = arith.constant 640 : i32
    %mul3A_12 = arith.muli %arg1, %mul3A_11 : i32
    %mul3A_13 = arith.constant 640 : i32
    %mul3A_14 = arith.muli %arg1, %mul3A_13 : i32
    "tpu.region"() ({
      %run_scoped3A = tpu.sem_alloc : memref<!tpu.dma_semaphore, #tpu.memory_space<semaphore_mem>>
      %dma_start3A = arith.constant 0 : i32
      %dma_start3A_15 = tpu.memref_slice %arg6[%arg0, %mul3A_14, %dma_start3A] : memref<2x10240x8xf32, #tpu.memory_space<hbm>> -> memref<1x640x8xf32, #tpu.memory_space<hbm>>
      %dma_start3A_16 = tpu.memref_squeeze %dma_start3A_15 : memref<1x640x8xf32, #tpu.memory_space<hbm>> -> memref<640x8xf32, #tpu.memory_space<hbm>>
      %dma_start3A_17 = arith.constant 0 : i32
      %dma_start3A_18 = tpu.memref_slice %arg10[%mul3A_12, %dma_start3A_17] : memref<10240x8xf32, #tpu.memory_space<vmem_shared>> -> memref<640x8xf32, #tpu.memory_space<vmem_shared>>
      tpu.enqueue_dma source(%dma_start3A_18 : memref<640x8xf32, #tpu.memory_space<vmem_shared>>) target(%dma_start3A_16 : memref<640x8xf32, #tpu.memory_space<hbm>>) target_semaphore(%run_scoped3A : memref<!tpu.dma_semaphore, #tpu.memory_space<semaphore_mem>>)
      %dma_wait3A = arith.constant 0 : i32
      %dma_wait3A_19 = tpu.memref_slice %arg6[%arg0, %mul3A_14, %dma_wait3A] : memref<2x10240x8xf32, #tpu.memory_space<hbm>> -> memref<1x640x8xf32, #tpu.memory_space<hbm>>
      %dma_wait3A_20 = tpu.memref_squeeze %dma_wait3A_19 : memref<1x640x8xf32, #tpu.memory_space<hbm>> -> memref<640x8xf32, #tpu.memory_space<hbm>>
      %dma_wait3A_21 = arith.constant 0 : i32
      %dma_wait3A_22 = tpu.memref_slice %arg10[%mul3A_12, %dma_wait3A_21] : memref<10240x8xf32, #tpu.memory_space<vmem_shared>> -> memref<640x8xf32, #tpu.memory_space<vmem_shared>>
      tpu.wait_dma2 semaphore(%run_scoped3A : memref<!tpu.dma_semaphore, #tpu.memory_space<semaphore_mem>>) src(%dma_wait3A_22 : memref<640x8xf32, #tpu.memory_space<vmem_shared>>) dst(%dma_wait3A_20 : memref<640x8xf32, #tpu.memory_space<hbm>>)
      tpu.yield
    }) : () -> ()
    return
  }
}

#map = affine_map<(d0, d1) -> (0, 0)>
#map1 = affine_map<(d0, d1) -> (0, 0, 0)>
module attributes {stable_mosaic.version = 14 : i64} {
  func.func @_agg_body(%arg0: i32, %arg1: i32, %arg2: memref<10240x64xf32, #tpu.memory_space<hbm>>, %arg3: memref<32x125x80xi32, #tpu.memory_space<hbm>>, %arg4: memref<32x125x80xi32, #tpu.memory_space<hbm>>, %arg5: memref<10240x64xf32, #tpu.memory_space<hbm>>, %arg6: memref<2x10240x64xf32, #tpu.memory_space<hbm>>, %arg7: memref<125x80xi32, #tpu.memory_space<vmem>>, %arg8: memref<125x80xi32, #tpu.memory_space<vmem>>, %arg9: memref<80x64xf32, #tpu.memory_space<vmem>>, %arg10: memref<10240x64xf32, #tpu.memory_space<vmem_shared>>, %arg11: memref<!tpu.dma_semaphore, #tpu.memory_space<semaphore_mem>>, %arg12: memref<!tpu.dma_semaphore, #tpu.memory_space<semaphore_mem>>) attributes {dimension_semantics = [#tpu.dimension_semantics<core_parallel>, #tpu.dimension_semantics<subcore_parallel>], iteration_bounds = array<i64: 2, 16>, scalar_prefetch = 0 : i64, scratch_operands = 6 : i64, tpu.core_type = #tpu.core_type<sc_vector_subcore>, window_params = [{transform_indices = #map}, {transform_indices = #map1}, {transform_indices = #map1}, {transform_indices = #map}, {transform_indices = #map1}]} {
    %mul3A = arith.constant 16 : i32
    %mul3A_0 = arith.muli %arg0, %mul3A : i32
    %add3A = arith.addi %mul3A_0, %arg1 : i32
    %mul3A_1 = arith.constant 640 : i32
    %mul3A_2 = arith.muli %arg1, %mul3A_1 : i32
    %mul3A_3 = arith.constant 640 : i32
    %mul3A_4 = arith.muli %arg1, %mul3A_3 : i32
    "tpu.region"() ({
      %run_scoped3A = tpu.sem_alloc : memref<!tpu.dma_semaphore, #tpu.memory_space<semaphore_mem>>
      %dma_start3A = arith.constant 0 : i32
      %dma_start3A_15 = tpu.memref_slice %arg10[%mul3A_4, %dma_start3A] : memref<10240x64xf32, #tpu.memory_space<vmem_shared>> -> memref<640x64xf32, #tpu.memory_space<vmem_shared>>
      %dma_start3A_16 = arith.constant 0 : i32
      %dma_start3A_17 = tpu.memref_slice %arg5[%mul3A_2, %dma_start3A_16] : memref<10240x64xf32, #tpu.memory_space<hbm>> -> memref<640x64xf32, #tpu.memory_space<hbm>>
      tpu.enqueue_dma source(%dma_start3A_17 : memref<640x64xf32, #tpu.memory_space<hbm>>) target(%dma_start3A_15 : memref<640x64xf32, #tpu.memory_space<vmem_shared>>) target_semaphore(%run_scoped3A : memref<!tpu.dma_semaphore, #tpu.memory_space<semaphore_mem>>)
      %dma_wait3A = arith.constant 0 : i32
      %dma_wait3A_18 = tpu.memref_slice %arg10[%mul3A_4, %dma_wait3A] : memref<10240x64xf32, #tpu.memory_space<vmem_shared>> -> memref<640x64xf32, #tpu.memory_space<vmem_shared>>
      %dma_wait3A_19 = arith.constant 0 : i32
      %dma_wait3A_20 = tpu.memref_slice %arg5[%mul3A_2, %dma_wait3A_19] : memref<10240x64xf32, #tpu.memory_space<hbm>> -> memref<640x64xf32, #tpu.memory_space<hbm>>
      tpu.wait_dma2 semaphore(%run_scoped3A : memref<!tpu.dma_semaphore, #tpu.memory_space<semaphore_mem>>) src(%dma_wait3A_20 : memref<640x64xf32, #tpu.memory_space<hbm>>) dst(%dma_wait3A_18 : memref<640x64xf32, #tpu.memory_space<vmem_shared>>)
      tpu.yield
    }) : () -> ()
    "tpu.region"() ({
      %run_scoped3A = tpu.sem_alloc : memref<!tpu.dma_semaphore, #tpu.memory_space<semaphore_mem>>
      %dma_start3A = arith.constant 0 : i32
      %dma_start3A_15 = arith.constant 0 : i32
      %dma_start3A_16 = tpu.memref_slice %arg3[%add3A, %dma_start3A, %dma_start3A_15] : memref<32x125x80xi32, #tpu.memory_space<hbm>> -> memref<1x125x80xi32, #tpu.memory_space<hbm>>
      %dma_start3A_17 = tpu.memref_squeeze %dma_start3A_16 : memref<1x125x80xi32, #tpu.memory_space<hbm>> -> memref<125x80xi32, #tpu.memory_space<hbm>>
      %dma_start3A_18 = arith.constant 0 : i32
      %dma_start3A_19 = arith.constant 0 : i32
      %dma_start3A_20 = tpu.memref_slice %arg3[%add3A, %dma_start3A_18, %dma_start3A_19] : memref<32x125x80xi32, #tpu.memory_space<hbm>> -> memref<1x125x80xi32, #tpu.memory_space<hbm>>
      %dma_start3A_21 = tpu.memref_squeeze %dma_start3A_20 : memref<1x125x80xi32, #tpu.memory_space<hbm>> -> memref<125x80xi32, #tpu.memory_space<hbm>>
      tpu.enqueue_dma source(%dma_start3A_21 : memref<125x80xi32, #tpu.memory_space<hbm>>) target(%arg7 : memref<125x80xi32, #tpu.memory_space<vmem>>) target_semaphore(%run_scoped3A : memref<!tpu.dma_semaphore, #tpu.memory_space<semaphore_mem>>)
      %dma_wait3A = arith.constant 0 : i32
      %dma_wait3A_22 = arith.constant 0 : i32
      %dma_wait3A_23 = tpu.memref_slice %arg3[%add3A, %dma_wait3A, %dma_wait3A_22] : memref<32x125x80xi32, #tpu.memory_space<hbm>> -> memref<1x125x80xi32, #tpu.memory_space<hbm>>
      %dma_wait3A_24 = tpu.memref_squeeze %dma_wait3A_23 : memref<1x125x80xi32, #tpu.memory_space<hbm>> -> memref<125x80xi32, #tpu.memory_space<hbm>>
      %dma_wait3A_25 = arith.constant 0 : i32
      %dma_wait3A_26 = arith.constant 0 : i32
      %dma_wait3A_27 = tpu.memref_slice %arg3[%add3A, %dma_wait3A_25, %dma_wait3A_26] : memref<32x125x80xi32, #tpu.memory_space<hbm>> -> memref<1x125x80xi32, #tpu.memory_space<hbm>>
      %dma_wait3A_28 = tpu.memref_squeeze %dma_wait3A_27 : memref<1x125x80xi32, #tpu.memory_space<hbm>> -> memref<125x80xi32, #tpu.memory_space<hbm>>
      tpu.wait_dma2 semaphore(%run_scoped3A : memref<!tpu.dma_semaphore, #tpu.memory_space<semaphore_mem>>) src(%dma_wait3A_28 : memref<125x80xi32, #tpu.memory_space<hbm>>) dst(%arg7 : memref<125x80xi32, #tpu.memory_space<vmem>>)
      tpu.yield
    }) : () -> ()
    "tpu.region"() ({
      %run_scoped3A = tpu.sem_alloc : memref<!tpu.dma_semaphore, #tpu.memory_space<semaphore_mem>>
      %dma_start3A = arith.constant 0 : i32
      %dma_start3A_15 = arith.constant 0 : i32
      %dma_start3A_16 = tpu.memref_slice %arg4[%add3A, %dma_start3A, %dma_start3A_15] : memref<32x125x80xi32, #tpu.memory_space<hbm>> -> memref<1x125x80xi32, #tpu.memory_space<hbm>>
      %dma_start3A_17 = tpu.memref_squeeze %dma_start3A_16 : memref<1x125x80xi32, #tpu.memory_space<hbm>> -> memref<125x80xi32, #tpu.memory_space<hbm>>
      %dma_start3A_18 = arith.constant 0 : i32
      %dma_start3A_19 = arith.constant 0 : i32
      %dma_start3A_20 = tpu.memref_slice %arg4[%add3A, %dma_start3A_18, %dma_start3A_19] : memref<32x125x80xi32, #tpu.memory_space<hbm>> -> memref<1x125x80xi32, #tpu.memory_space<hbm>>
      %dma_start3A_21 = tpu.memref_squeeze %dma_start3A_20 : memref<1x125x80xi32, #tpu.memory_space<hbm>> -> memref<125x80xi32, #tpu.memory_space<hbm>>
      tpu.enqueue_dma source(%dma_start3A_21 : memref<125x80xi32, #tpu.memory_space<hbm>>) target(%arg8 : memref<125x80xi32, #tpu.memory_space<vmem>>) target_semaphore(%run_scoped3A : memref<!tpu.dma_semaphore, #tpu.memory_space<semaphore_mem>>)
      %dma_wait3A = arith.constant 0 : i32
      %dma_wait3A_22 = arith.constant 0 : i32
      %dma_wait3A_23 = tpu.memref_slice %arg4[%add3A, %dma_wait3A, %dma_wait3A_22] : memref<32x125x80xi32, #tpu.memory_space<hbm>> -> memref<1x125x80xi32, #tpu.memory_space<hbm>>
      %dma_wait3A_24 = tpu.memref_squeeze %dma_wait3A_23 : memref<1x125x80xi32, #tpu.memory_space<hbm>> -> memref<125x80xi32, #tpu.memory_space<hbm>>
      %dma_wait3A_25 = arith.constant 0 : i32
      %dma_wait3A_26 = arith.constant 0 : i32
      %dma_wait3A_27 = tpu.memref_slice %arg4[%add3A, %dma_wait3A_25, %dma_wait3A_26] : memref<32x125x80xi32, #tpu.memory_space<hbm>> -> memref<1x125x80xi32, #tpu.memory_space<hbm>>
      %dma_wait3A_28 = tpu.memref_squeeze %dma_wait3A_27 : memref<1x125x80xi32, #tpu.memory_space<hbm>> -> memref<125x80xi32, #tpu.memory_space<hbm>>
      tpu.wait_dma2 semaphore(%run_scoped3A : memref<!tpu.dma_semaphore, #tpu.memory_space<semaphore_mem>>) src(%dma_wait3A_28 : memref<125x80xi32, #tpu.memory_space<hbm>>) dst(%arg8 : memref<125x80xi32, #tpu.memory_space<vmem>>)
      tpu.yield
    }) : () -> ()
    %barrier3A = arith.constant 0 : index
    tpu.barrier barrier_id(%barrier3A)
    %scan3A = arith.constant 0 : i32
    %scan3A_5 = arith.constant 0 : i32
    %scan3A_6 = arith.constant 125 : i32
    %scan3A_7 = arith.addi %scan3A_5, %scan3A_6 : i32
    %scan3A_8 = arith.constant 1 : i32
    scf.for %scan3A_15 = %scan3A_5 to %scan3A_7 step %scan3A_8  : i32 {
      %dma_start3A = arith.constant 0 : i32
      %dma_start3A_16 = tpu.memref_slice %arg7[%scan3A_15, %dma_start3A] : memref<125x80xi32, #tpu.memory_space<vmem>> -> memref<1x80xi32, #tpu.memory_space<vmem>>
      %dma_start3A_17 = tpu.memref_squeeze %dma_start3A_16 : memref<1x80xi32, #tpu.memory_space<vmem>> -> memref<80xi32, #tpu.memory_space<vmem>>
      %dma_start3A_18 = arith.constant 0 : i32
      %dma_start3A_19 = arith.constant 0 : i32
      %dma_start3A_20 = tpu.memref_slice %arg2[%dma_start3A_18, %dma_start3A_19] : memref<10240x64xf32, #tpu.memory_space<hbm>> -> memref<10240x64xf32, #tpu.memory_space<hbm>>
      tpu.enqueue_indirect_dma source(%dma_start3A_20 : memref<10240x64xf32, #tpu.memory_space<hbm>>) target(%arg9 : memref<80x64xf32, #tpu.memory_space<vmem>>) offsets(%dma_start3A_17 : memref<80xi32, #tpu.memory_space<vmem>>) semaphore(%arg11 : memref<!tpu.dma_semaphore, #tpu.memory_space<semaphore_mem>>)
      %dma_wait3A = arith.constant 0 : i32
      %dma_wait3A_21 = tpu.memref_slice %arg7[%scan3A_15, %dma_wait3A] : memref<125x80xi32, #tpu.memory_space<vmem>> -> memref<1x80xi32, #tpu.memory_space<vmem>>
      %dma_wait3A_22 = tpu.memref_squeeze %dma_wait3A_21 : memref<1x80xi32, #tpu.memory_space<vmem>> -> memref<80xi32, #tpu.memory_space<vmem>>
      %dma_wait3A_23 = arith.constant 0 : i32
      %dma_wait3A_24 = arith.constant 0 : i32
      %dma_wait3A_25 = tpu.memref_slice %arg2[%dma_wait3A_23, %dma_wait3A_24] : memref<10240x64xf32, #tpu.memory_space<hbm>> -> memref<10240x64xf32, #tpu.memory_space<hbm>>
      tpu.wait_indirect_dma semaphore(%arg11 : memref<!tpu.dma_semaphore, #tpu.memory_space<semaphore_mem>>) src(%dma_wait3A_25 : memref<10240x64xf32, #tpu.memory_space<hbm>>) dst(%arg9 : memref<80x64xf32, #tpu.memory_space<vmem>>)
      %dma_start3A_26 = arith.constant 0 : i32
      %dma_start3A_27 = tpu.memref_slice %arg8[%scan3A_15, %dma_start3A_26] : memref<125x80xi32, #tpu.memory_space<vmem>> -> memref<1x80xi32, #tpu.memory_space<vmem>>
      %dma_start3A_28 = tpu.memref_squeeze %dma_start3A_27 : memref<1x80xi32, #tpu.memory_space<vmem>> -> memref<80xi32, #tpu.memory_space<vmem>>
      %dma_start3A_29 = arith.constant 0 : i32
      %dma_start3A_30 = arith.constant 0 : i32
      %dma_start3A_31 = tpu.memref_slice %arg10[%dma_start3A_29, %dma_start3A_30] : memref<10240x64xf32, #tpu.memory_space<vmem_shared>> -> memref<10240x64xf32, #tpu.memory_space<vmem_shared>>
      tpu.enqueue_indirect_dma source(%arg9 : memref<80x64xf32, #tpu.memory_space<vmem>>) target(%dma_start3A_31 : memref<10240x64xf32, #tpu.memory_space<vmem_shared>>) offsets(%dma_start3A_28 : memref<80xi32, #tpu.memory_space<vmem>>) semaphore(%arg12 : memref<!tpu.dma_semaphore, #tpu.memory_space<semaphore_mem>>) {add = true}
      %dma_wait3A_32 = arith.constant 0 : i32
      %dma_wait3A_33 = tpu.memref_slice %arg8[%scan3A_15, %dma_wait3A_32] : memref<125x80xi32, #tpu.memory_space<vmem>> -> memref<1x80xi32, #tpu.memory_space<vmem>>
      %dma_wait3A_34 = tpu.memref_squeeze %dma_wait3A_33 : memref<1x80xi32, #tpu.memory_space<vmem>> -> memref<80xi32, #tpu.memory_space<vmem>>
      %dma_wait3A_35 = arith.constant 0 : i32
      %dma_wait3A_36 = arith.constant 0 : i32
      %dma_wait3A_37 = tpu.memref_slice %arg10[%dma_wait3A_35, %dma_wait3A_36] : memref<10240x64xf32, #tpu.memory_space<vmem_shared>> -> memref<10240x64xf32, #tpu.memory_space<vmem_shared>>
      tpu.wait_indirect_dma semaphore(%arg12 : memref<!tpu.dma_semaphore, #tpu.memory_space<semaphore_mem>>) src(%arg9 : memref<80x64xf32, #tpu.memory_space<vmem>>) dst(%dma_wait3A_37 : memref<10240x64xf32, #tpu.memory_space<vmem_shared>>)
    }
    %scan3A_9 = arith.constant 125 : i32
    %barrier3A_10 = arith.constant 0 : index
    tpu.barrier barrier_id(%barrier3A_10)
    %mul3A_11 = arith.constant 640 : i32
    %mul3A_12 = arith.muli %arg1, %mul3A_11 : i32
    %mul3A_13 = arith.constant 640 : i32
    %mul3A_14 = arith.muli %arg1, %mul3A_13 : i32
    "tpu.region"() ({
      %run_scoped3A = tpu.sem_alloc : memref<!tpu.dma_semaphore, #tpu.memory_space<semaphore_mem>>
      %dma_start3A = arith.constant 0 : i32
      %dma_start3A_15 = tpu.memref_slice %arg6[%arg0, %mul3A_14, %dma_start3A] : memref<2x10240x64xf32, #tpu.memory_space<hbm>> -> memref<1x640x64xf32, #tpu.memory_space<hbm>>
      %dma_start3A_16 = tpu.memref_squeeze %dma_start3A_15 : memref<1x640x64xf32, #tpu.memory_space<hbm>> -> memref<640x64xf32, #tpu.memory_space<hbm>>
      %dma_start3A_17 = arith.constant 0 : i32
      %dma_start3A_18 = tpu.memref_slice %arg10[%mul3A_12, %dma_start3A_17] : memref<10240x64xf32, #tpu.memory_space<vmem_shared>> -> memref<640x64xf32, #tpu.memory_space<vmem_shared>>
      tpu.enqueue_dma source(%dma_start3A_18 : memref<640x64xf32, #tpu.memory_space<vmem_shared>>) target(%dma_start3A_16 : memref<640x64xf32, #tpu.memory_space<hbm>>) target_semaphore(%run_scoped3A : memref<!tpu.dma_semaphore, #tpu.memory_space<semaphore_mem>>)
      %dma_wait3A = arith.constant 0 : i32
      %dma_wait3A_19 = tpu.memref_slice %arg6[%arg0, %mul3A_14, %dma_wait3A] : memref<2x10240x64xf32, #tpu.memory_space<hbm>> -> memref<1x640x64xf32, #tpu.memory_space<hbm>>
      %dma_wait3A_20 = tpu.memref_squeeze %dma_wait3A_19 : memref<1x640x64xf32, #tpu.memory_space<hbm>> -> memref<640x64xf32, #tpu.memory_space<hbm>>
      %dma_wait3A_21 = arith.constant 0 : i32
      %dma_wait3A_22 = tpu.memref_slice %arg10[%mul3A_12, %dma_wait3A_21] : memref<10240x64xf32, #tpu.memory_space<vmem_shared>> -> memref<640x64xf32, #tpu.memory_space<vmem_shared>>
      tpu.wait_dma2 semaphore(%run_scoped3A : memref<!tpu.dma_semaphore, #tpu.memory_space<semaphore_mem>>) src(%dma_wait3A_22 : memref<640x64xf32, #tpu.memory_space<vmem_shared>>) dst(%dma_wait3A_20 : memref<640x64xf32, #tpu.memory_space<hbm>>)
      tpu.yield
    }) : () -> ()
    return
  }
}

module attributes {stable_mosaic.version = 14 : i64} {
  func.func @_tc_first_body(%arg0: i32, %arg1: memref<2x640x8xf32, #tpu.memory_space<vmem>>, %arg2: memref<640x128xf32, #tpu.memory_space<vmem>>, %arg3: memref<128x64xf32, #tpu.memory_space<vmem>>, %arg4: memref<640x64xf32, #tpu.memory_space<vmem>>, %arg5: memref<640x1xf32, #tpu.memory_space<vmem>>) attributes {dimension_semantics = [#tpu.dimension_semantics<arbitrary>], iteration_bounds = array<i64: 16>, scalar_prefetch = 0 : i64, scratch_operands = 0 : i64, tpu.core_type = #tpu.core_type<tc>, window_params = [{transform_indices = @transform_0, window_bounds = array<i64: 2, 640, 8>}, {transform_indices = @transform_1, window_bounds = array<i64: 640, 128>}, {pipeline_mode = #tpu.pipeline_mode<synchronous>, transform_indices = @transform_2, window_bounds = array<i64: 128, 64>}, {transform_indices = @transform_3, window_bounds = array<i64: 640, 64>}, {transform_indices = @transform_4, window_bounds = array<i64: 640, 1>}]} {
    %get3A = arith.constant 0 : index
    %get3A_0 = arith.constant 0 : index
    %get3A_1 = arith.constant 0 : index
    %get3A_2 = vector.load %arg1[%get3A, %get3A_0, %get3A_1] : memref<2x640x8xf32, #tpu.memory_space<vmem>>, vector<2x640x8xf32>
    %slice3A = vector.extract_strided_slice %get3A_2 {offsets = [0, 0, 0], sizes = [1, 640, 1], strides = [1, 1, 1]} : vector<2x640x8xf32> to vector<1x640x1xf32>
    %squeeze3A = vector.shape_cast %slice3A : vector<1x640x1xf32> to vector<640x1xf32>
    %slice3A_3 = vector.extract_strided_slice %get3A_2 {offsets = [1, 0, 0], sizes = [1, 640, 1], strides = [1, 1, 1]} : vector<2x640x8xf32> to vector<1x640x1xf32>
    %squeeze3A_4 = vector.shape_cast %slice3A_3 : vector<1x640x1xf32> to vector<640x1xf32>
    %add3A = arith.addf %squeeze3A, %squeeze3A_4 : vector<640x1xf32>
    %add3A_5 = arith.constant 1.000000e+00 : f32
    %add3A_6 = vector.broadcast %add3A_5 : f32 to vector<640x1xf32>
    %add3A_7 = arith.addf %add3A, %add3A_6 : vector<640x1xf32>
    %rsqrt3A = math.rsqrt %add3A_7 : vector<640x1xf32>
    %get3A_8 = arith.constant 0 : index
    %get3A_9 = arith.constant 0 : index
    %get3A_10 = vector.load %arg2[%get3A_8, %get3A_9] : memref<640x128xf32, #tpu.memory_space<vmem>>, vector<640x128xf32>
    %get3A_11 = arith.constant 0 : index
    %get3A_12 = arith.constant 0 : index
    %get3A_13 = vector.load %arg3[%get3A_11, %get3A_12] : memref<128x64xf32, #tpu.memory_space<vmem>>, vector<128x64xf32>
    %dot_general3A = arith.constant dense<0.000000e+00> : vector<640x64xf32>
    %dot_general3A_14 = tpu.matmul %get3A_10, %get3A_13, %dot_general3A {dimension_numbers = #tpu.dot_dimension_numbers<[1], [0], [0], [1], [0, 0, 1, 1], [], []>, transpose_lhs_hint = false} : vector<640x128xf32>, vector<128x64xf32>, vector<640x64xf32> -> vector<640x64xf32>
    %mul3A = vector.broadcast %rsqrt3A : vector<640x1xf32> to vector<640x64xf32>
    %mul3A_15 = arith.mulf %dot_general3A_14, %mul3A : vector<640x64xf32>
    %swap3A = arith.constant 0 : index
    %swap3A_16 = arith.constant 0 : index
    %swap3A_17 = vector.load %arg4[%swap3A, %swap3A_16] : memref<640x64xf32, #tpu.memory_space<vmem>>, vector<640x64xf32>
    tpu.vector_store %arg4[%swap3A, %swap3A_16], %mul3A_15 {strides = array<i32>} : memref<640x64xf32, #tpu.memory_space<vmem>>, vector<640x64xf32>,
    %swap3A_18 = arith.constant 0 : index
    %swap3A_19 = arith.constant 0 : index
    %swap3A_20 = vector.load %arg5[%swap3A_18, %swap3A_19] : memref<640x1xf32, #tpu.memory_space<vmem>>, vector<640x1xf32>
    tpu.vector_store %arg5[%swap3A_18, %swap3A_19], %rsqrt3A {strides = array<i32>} : memref<640x1xf32, #tpu.memory_space<vmem>>, vector<640x1xf32>,
    return
  }
  func.func @transform_0(%arg0: i32) -> (i32, i32, i32) {
    %c0_i32 = arith.constant 0 : i32
    %c0_i32_0 = arith.constant 0 : i32
    %c0_i32_1 = arith.constant 0 : i32
    return %c0_i32, %arg0, %c0_i32_0 : i32, i32, i32
  }
  func.func @transform_1(%arg0: i32) -> (i32, i32) {
    %c0_i32 = arith.constant 0 : i32
    %c0_i32_0 = arith.constant 0 : i32
    return %arg0, %c0_i32 : i32, i32
  }
  func.func @transform_2(%arg0: i32) -> (i32, i32) {
    %c0_i32 = arith.constant 0 : i32
    %c0_i32_0 = arith.constant 0 : i32
    %c0_i32_1 = arith.constant 0 : i32
    return %c0_i32, %c0_i32_0 : i32, i32
  }
  func.func @transform_3(%arg0: i32) -> (i32, i32) {
    %c0_i32 = arith.constant 0 : i32
    %c0_i32_0 = arith.constant 0 : i32
    return %arg0, %c0_i32 : i32, i32
  }
  func.func @transform_4(%arg0: i32) -> (i32, i32) {
    %c0_i32 = arith.constant 0 : i32
    %c0_i32_0 = arith.constant 0 : i32
    return %arg0, %c0_i32 : i32, i32
  }
}

module attributes {stable_mosaic.version = 14 : i64} {
  func.func @_tc_mid_body(%arg0: i32, %arg1: memref<2x640x64xf32, #tpu.memory_space<vmem>>, %arg2: memref<640x64xf32, #tpu.memory_space<vmem>>, %arg3: memref<640x1xf32, #tpu.memory_space<vmem>>, %arg4: memref<1x64xf32, #tpu.memory_space<vmem>>, %arg5: memref<64x64xf32, #tpu.memory_space<vmem>>, %arg6: memref<640x64xf32, #tpu.memory_space<vmem>>) attributes {dimension_semantics = [#tpu.dimension_semantics<arbitrary>], iteration_bounds = array<i64: 16>, scalar_prefetch = 0 : i64, scratch_operands = 0 : i64, tpu.core_type = #tpu.core_type<tc>, window_params = [{transform_indices = @transform_0, window_bounds = array<i64: 2, 640, 64>}, {transform_indices = @transform_1, window_bounds = array<i64: 640, 64>}, {transform_indices = @transform_2, window_bounds = array<i64: 640, 1>}, {pipeline_mode = #tpu.pipeline_mode<synchronous>, transform_indices = @transform_3, window_bounds = array<i64: 1, 64>}, {pipeline_mode = #tpu.pipeline_mode<synchronous>, transform_indices = @transform_4, window_bounds = array<i64: 64, 64>}, {transform_indices = @transform_5, window_bounds = array<i64: 640, 64>}]} {
    %get3A = arith.constant 0 : index
    %get3A_0 = arith.constant 0 : index
    %get3A_1 = arith.constant 0 : index
    %get3A_2 = vector.load %arg1[%get3A, %get3A_0, %get3A_1] : memref<2x640x64xf32, #tpu.memory_space<vmem>>, vector<2x640x64xf32>
    %get3A_3 = arith.constant 0 : index
    %get3A_4 = arith.constant 0 : index
    %get3A_5 = vector.load %arg3[%get3A_3, %get3A_4] : memref<640x1xf32, #tpu.memory_space<vmem>>, vector<640x1xf32>
    %slice3A = vector.extract_strided_slice %get3A_2 {offsets = [0, 0, 0], sizes = [1, 640, 64], strides = [1, 1, 1]} : vector<2x640x64xf32> to vector<1x640x64xf32>
    %squeeze3A = vector.shape_cast %slice3A : vector<1x640x64xf32> to vector<640x64xf32>
    %slice3A_6 = vector.extract_strided_slice %get3A_2 {offsets = [1, 0, 0], sizes = [1, 640, 64], strides = [1, 1, 1]} : vector<2x640x64xf32> to vector<1x640x64xf32>
    %squeeze3A_7 = vector.shape_cast %slice3A_6 : vector<1x640x64xf32> to vector<640x64xf32>
    %add3A = arith.addf %squeeze3A, %squeeze3A_7 : vector<640x64xf32>
    %get3A_8 = arith.constant 0 : index
    %get3A_9 = arith.constant 0 : index
    %get3A_10 = vector.load %arg2[%get3A_8, %get3A_9] : memref<640x64xf32, #tpu.memory_space<vmem>>, vector<640x64xf32>
    %add3A_11 = arith.addf %add3A, %get3A_10 : vector<640x64xf32>
    %mul3A = vector.broadcast %get3A_5 : vector<640x1xf32> to vector<640x64xf32>
    %mul3A_12 = arith.mulf %add3A_11, %mul3A : vector<640x64xf32>
    %get3A_13 = arith.constant 0 : index
    %get3A_14 = arith.constant 0 : index
    %get3A_15 = vector.load %arg4[%get3A_13, %get3A_14] : memref<1x64xf32, #tpu.memory_space<vmem>>, vector<1x64xf32>
    %add3A_16 = vector.broadcast %get3A_15 : vector<1x64xf32> to vector<640x64xf32>
    %add3A_17 = arith.addf %mul3A_12, %add3A_16 : vector<640x64xf32>
    %ge3A = arith.constant 0.000000e+00 : f32
    %ge3A_18 = vector.broadcast %ge3A : f32 to vector<640x64xf32>
    %ge3A_19 = arith.cmpf oge, %add3A_17, %ge3A_18 : vector<640x64xf32>
    %mul3A_20 = arith.constant 0.00999999977 : f32
    %mul3A_21 = vector.broadcast %mul3A_20 : f32 to vector<640x64xf32>
    %mul3A_22 = arith.mulf %mul3A_21, %add3A_17 : vector<640x64xf32>
    %select_n3A = arith.select %ge3A_19, %add3A_17, %mul3A_22 : vector<640x64xi1>, vector<640x64xf32>
    %get3A_23 = arith.constant 0 : index
    %get3A_24 = arith.constant 0 : index
    %get3A_25 = vector.load %arg5[%get3A_23, %get3A_24] : memref<64x64xf32, #tpu.memory_space<vmem>>, vector<64x64xf32>
    %dot_general3A = arith.constant dense<0.000000e+00> : vector<640x64xf32>
    %dot_general3A_26 = tpu.matmul %select_n3A, %get3A_25, %dot_general3A {dimension_numbers = #tpu.dot_dimension_numbers<[1], [0], [0], [1], [0, 0, 1, 1], [], []>, transpose_lhs_hint = false} : vector<640x64xf32>, vector<64x64xf32>, vector<640x64xf32> -> vector<640x64xf32>
    %mul3A_27 = vector.broadcast %get3A_5 : vector<640x1xf32> to vector<640x64xf32>
    %mul3A_28 = arith.mulf %dot_general3A_26, %mul3A_27 : vector<640x64xf32>
    %swap3A = arith.constant 0 : index
    %swap3A_29 = arith.constant 0 : index
    %swap3A_30 = vector.load %arg6[%swap3A, %swap3A_29] : memref<640x64xf32, #tpu.memory_space<vmem>>, vector<640x64xf32>
    tpu.vector_store %arg6[%swap3A, %swap3A_29], %mul3A_28 {strides = array<i32>} : memref<640x64xf32, #tpu.memory_space<vmem>>, vector<640x64xf32>,
    return
  }
  func.func @transform_0(%arg0: i32) -> (i32, i32, i32) {
    %c0_i32 = arith.constant 0 : i32
    %c0_i32_0 = arith.constant 0 : i32
    %c0_i32_1 = arith.constant 0 : i32
    return %c0_i32, %arg0, %c0_i32_0 : i32, i32, i32
  }
  func.func @transform_1(%arg0: i32) -> (i32, i32) {
    %c0_i32 = arith.constant 0 : i32
    %c0_i32_0 = arith.constant 0 : i32
    return %arg0, %c0_i32 : i32, i32
  }
  func.func @transform_2(%arg0: i32) -> (i32, i32) {
    %c0_i32 = arith.constant 0 : i32
    %c0_i32_0 = arith.constant 0 : i32
    return %arg0, %c0_i32 : i32, i32
  }
  func.func @transform_3(%arg0: i32) -> (i32, i32) {
    %c0_i32 = arith.constant 0 : i32
    %c0_i32_0 = arith.constant 0 : i32
    %c0_i32_1 = arith.constant 0 : i32
    return %c0_i32, %c0_i32_0 : i32, i32
  }
  func.func @transform_4(%arg0: i32) -> (i32, i32) {
    %c0_i32 = arith.constant 0 : i32
    %c0_i32_0 = arith.constant 0 : i32
    %c0_i32_1 = arith.constant 0 : i32
    return %c0_i32, %c0_i32_0 : i32, i32
  }
  func.func @transform_5(%arg0: i32) -> (i32, i32) {
    %c0_i32 = arith.constant 0 : i32
    %c0_i32_0 = arith.constant 0 : i32
    return %arg0, %c0_i32 : i32, i32
  }
}

module attributes {stable_mosaic.version = 14 : i64} {
  func.func @_tc_mid_body(%arg0: i32, %arg1: memref<2x640x64xf32, #tpu.memory_space<vmem>>, %arg2: memref<640x64xf32, #tpu.memory_space<vmem>>, %arg3: memref<640x1xf32, #tpu.memory_space<vmem>>, %arg4: memref<1x64xf32, #tpu.memory_space<vmem>>, %arg5: memref<64x8xf32, #tpu.memory_space<vmem>>, %arg6: memref<640x8xf32, #tpu.memory_space<vmem>>) attributes {dimension_semantics = [#tpu.dimension_semantics<arbitrary>], iteration_bounds = array<i64: 16>, scalar_prefetch = 0 : i64, scratch_operands = 0 : i64, tpu.core_type = #tpu.core_type<tc>, window_params = [{transform_indices = @transform_0, window_bounds = array<i64: 2, 640, 64>}, {transform_indices = @transform_1, window_bounds = array<i64: 640, 64>}, {transform_indices = @transform_2, window_bounds = array<i64: 640, 1>}, {pipeline_mode = #tpu.pipeline_mode<synchronous>, transform_indices = @transform_3, window_bounds = array<i64: 1, 64>}, {pipeline_mode = #tpu.pipeline_mode<synchronous>, transform_indices = @transform_4, window_bounds = array<i64: 64, 8>}, {transform_indices = @transform_5, window_bounds = array<i64: 640, 8>}]} {
    %get3A = arith.constant 0 : index
    %get3A_0 = arith.constant 0 : index
    %get3A_1 = arith.constant 0 : index
    %get3A_2 = vector.load %arg1[%get3A, %get3A_0, %get3A_1] : memref<2x640x64xf32, #tpu.memory_space<vmem>>, vector<2x640x64xf32>
    %get3A_3 = arith.constant 0 : index
    %get3A_4 = arith.constant 0 : index
    %get3A_5 = vector.load %arg3[%get3A_3, %get3A_4] : memref<640x1xf32, #tpu.memory_space<vmem>>, vector<640x1xf32>
    %slice3A = vector.extract_strided_slice %get3A_2 {offsets = [0, 0, 0], sizes = [1, 640, 64], strides = [1, 1, 1]} : vector<2x640x64xf32> to vector<1x640x64xf32>
    %squeeze3A = vector.shape_cast %slice3A : vector<1x640x64xf32> to vector<640x64xf32>
    %slice3A_6 = vector.extract_strided_slice %get3A_2 {offsets = [1, 0, 0], sizes = [1, 640, 64], strides = [1, 1, 1]} : vector<2x640x64xf32> to vector<1x640x64xf32>
    %squeeze3A_7 = vector.shape_cast %slice3A_6 : vector<1x640x64xf32> to vector<640x64xf32>
    %add3A = arith.addf %squeeze3A, %squeeze3A_7 : vector<640x64xf32>
    %get3A_8 = arith.constant 0 : index
    %get3A_9 = arith.constant 0 : index
    %get3A_10 = vector.load %arg2[%get3A_8, %get3A_9] : memref<640x64xf32, #tpu.memory_space<vmem>>, vector<640x64xf32>
    %add3A_11 = arith.addf %add3A, %get3A_10 : vector<640x64xf32>
    %mul3A = vector.broadcast %get3A_5 : vector<640x1xf32> to vector<640x64xf32>
    %mul3A_12 = arith.mulf %add3A_11, %mul3A : vector<640x64xf32>
    %get3A_13 = arith.constant 0 : index
    %get3A_14 = arith.constant 0 : index
    %get3A_15 = vector.load %arg4[%get3A_13, %get3A_14] : memref<1x64xf32, #tpu.memory_space<vmem>>, vector<1x64xf32>
    %add3A_16 = vector.broadcast %get3A_15 : vector<1x64xf32> to vector<640x64xf32>
    %add3A_17 = arith.addf %mul3A_12, %add3A_16 : vector<640x64xf32>
    %ge3A = arith.constant 0.000000e+00 : f32
    %ge3A_18 = vector.broadcast %ge3A : f32 to vector<640x64xf32>
    %ge3A_19 = arith.cmpf oge, %add3A_17, %ge3A_18 : vector<640x64xf32>
    %mul3A_20 = arith.constant 0.00999999977 : f32
    %mul3A_21 = vector.broadcast %mul3A_20 : f32 to vector<640x64xf32>
    %mul3A_22 = arith.mulf %mul3A_21, %add3A_17 : vector<640x64xf32>
    %select_n3A = arith.select %ge3A_19, %add3A_17, %mul3A_22 : vector<640x64xi1>, vector<640x64xf32>
    %get3A_23 = arith.constant 0 : index
    %get3A_24 = arith.constant 0 : index
    %get3A_25 = vector.load %arg5[%get3A_23, %get3A_24] : memref<64x8xf32, #tpu.memory_space<vmem>>, vector<64x8xf32>
    %dot_general3A = arith.constant dense<0.000000e+00> : vector<640x8xf32>
    %dot_general3A_26 = tpu.matmul %select_n3A, %get3A_25, %dot_general3A {dimension_numbers = #tpu.dot_dimension_numbers<[1], [0], [0], [1], [0, 0, 1, 1], [], []>, transpose_lhs_hint = false} : vector<640x64xf32>, vector<64x8xf32>, vector<640x8xf32> -> vector<640x8xf32>
    %mul3A_27 = vector.broadcast %get3A_5 : vector<640x1xf32> to vector<640x8xf32>
    %mul3A_28 = arith.mulf %dot_general3A_26, %mul3A_27 : vector<640x8xf32>
    %swap3A = arith.constant 0 : index
    %swap3A_29 = arith.constant 0 : index
    %swap3A_30 = vector.load %arg6[%swap3A, %swap3A_29] : memref<640x8xf32, #tpu.memory_space<vmem>>, vector<640x8xf32>
    tpu.vector_store %arg6[%swap3A, %swap3A_29], %mul3A_28 {strides = array<i32>} : memref<640x8xf32, #tpu.memory_space<vmem>>, vector<640x8xf32>,
    return
  }
  func.func @transform_0(%arg0: i32) -> (i32, i32, i32) {
    %c0_i32 = arith.constant 0 : i32
    %c0_i32_0 = arith.constant 0 : i32
    %c0_i32_1 = arith.constant 0 : i32
    return %c0_i32, %arg0, %c0_i32_0 : i32, i32, i32
  }
  func.func @transform_1(%arg0: i32) -> (i32, i32) {
    %c0_i32 = arith.constant 0 : i32
    %c0_i32_0 = arith.constant 0 : i32
    return %arg0, %c0_i32 : i32, i32
  }
  func.func @transform_2(%arg0: i32) -> (i32, i32) {
    %c0_i32 = arith.constant 0 : i32
    %c0_i32_0 = arith.constant 0 : i32
    return %arg0, %c0_i32 : i32, i32
  }
  func.func @transform_3(%arg0: i32) -> (i32, i32) {
    %c0_i32 = arith.constant 0 : i32
    %c0_i32_0 = arith.constant 0 : i32
    %c0_i32_1 = arith.constant 0 : i32
    return %c0_i32, %c0_i32_0 : i32, i32
  }
  func.func @transform_4(%arg0: i32) -> (i32, i32) {
    %c0_i32 = arith.constant 0 : i32
    %c0_i32_0 = arith.constant 0 : i32
    %c0_i32_1 = arith.constant 0 : i32
    return %c0_i32, %c0_i32_0 : i32, i32
  }
  func.func @transform_5(%arg0: i32) -> (i32, i32) {
    %c0_i32 = arith.constant 0 : i32
    %c0_i32_0 = arith.constant 0 : i32
    return %arg0, %c0_i32 : i32, i32
  }
}

module attributes {stable_mosaic.version = 14 : i64} {
  func.func @_tc_last_body(%arg0: i32, %arg1: memref<2x640x8xf32, #tpu.memory_space<vmem>>, %arg2: memref<640x8xf32, #tpu.memory_space<vmem>>, %arg3: memref<640x1xf32, #tpu.memory_space<vmem>>, %arg4: memref<1x1xf32, #tpu.memory_space<vmem>>, %arg5: memref<640x1xf32, #tpu.memory_space<vmem>>) attributes {dimension_semantics = [#tpu.dimension_semantics<arbitrary>], iteration_bounds = array<i64: 16>, scalar_prefetch = 0 : i64, scratch_operands = 0 : i64, tpu.core_type = #tpu.core_type<tc>, window_params = [{transform_indices = @transform_0, window_bounds = array<i64: 2, 640, 8>}, {transform_indices = @transform_1, window_bounds = array<i64: 640, 8>}, {transform_indices = @transform_2, window_bounds = array<i64: 640, 1>}, {pipeline_mode = #tpu.pipeline_mode<synchronous>, transform_indices = @transform_3, window_bounds = array<i64: 1, 1>}, {transform_indices = @transform_4, window_bounds = array<i64: 640, 1>}]} {
    %get3A = arith.constant 0 : index
    %get3A_0 = arith.constant 0 : index
    %get3A_1 = arith.constant 0 : index
    %get3A_2 = vector.load %arg1[%get3A, %get3A_0, %get3A_1] : memref<2x640x8xf32, #tpu.memory_space<vmem>>, vector<2x640x8xf32>
    %slice3A = vector.extract_strided_slice %get3A_2 {offsets = [0, 0, 0], sizes = [1, 640, 1], strides = [1, 1, 1]} : vector<2x640x8xf32> to vector<1x640x1xf32>
    %squeeze3A = vector.shape_cast %slice3A : vector<1x640x1xf32> to vector<640x1xf32>
    %slice3A_3 = vector.extract_strided_slice %get3A_2 {offsets = [1, 0, 0], sizes = [1, 640, 1], strides = [1, 1, 1]} : vector<2x640x8xf32> to vector<1x640x1xf32>
    %squeeze3A_4 = vector.shape_cast %slice3A_3 : vector<1x640x1xf32> to vector<640x1xf32>
    %add3A = arith.addf %squeeze3A, %squeeze3A_4 : vector<640x1xf32>
    %get3A_5 = arith.constant 0 : index
    %get3A_6 = arith.constant 0 : index
    %get3A_7 = vector.load %arg2[%get3A_5, %get3A_6] : memref<640x8xf32, #tpu.memory_space<vmem>>, vector<640x1xf32>
    %add3A_8 = arith.addf %add3A, %get3A_7 : vector<640x1xf32>
    %get3A_9 = arith.constant 0 : index
    %get3A_10 = arith.constant 0 : index
    %get3A_11 = vector.load %arg3[%get3A_9, %get3A_10] : memref<640x1xf32, #tpu.memory_space<vmem>>, vector<640x1xf32>
    %mul3A = arith.mulf %add3A_8, %get3A_11 : vector<640x1xf32>
    %get3A_12 = arith.constant 0 : index
    %get3A_13 = arith.constant 0 : index
    %get3A_14 = vector.load %arg4[%get3A_12, %get3A_13] : memref<1x1xf32, #tpu.memory_space<vmem>>, vector<1x1xf32>
    %add3A_15 = vector.broadcast %get3A_14 : vector<1x1xf32> to vector<640x1xf32>
    %add3A_16 = arith.addf %mul3A, %add3A_15 : vector<640x1xf32>
    %swap3A = arith.constant 0 : index
    %swap3A_17 = arith.constant 0 : index
    %swap3A_18 = vector.load %arg5[%swap3A, %swap3A_17] : memref<640x1xf32, #tpu.memory_space<vmem>>, vector<640x1xf32>
    tpu.vector_store %arg5[%swap3A, %swap3A_17], %add3A_16 {strides = array<i32>} : memref<640x1xf32, #tpu.memory_space<vmem>>, vector<640x1xf32>,
    return
  }
  func.func @transform_0(%arg0: i32) -> (i32, i32, i32) {
    %c0_i32 = arith.constant 0 : i32
    %c0_i32_0 = arith.constant 0 : i32
    %c0_i32_1 = arith.constant 0 : i32
    return %c0_i32, %arg0, %c0_i32_0 : i32, i32, i32
  }
  func.func @transform_1(%arg0: i32) -> (i32, i32) {
    %c0_i32 = arith.constant 0 : i32
    %c0_i32_0 = arith.constant 0 : i32
    return %arg0, %c0_i32 : i32, i32
  }
  func.func @transform_2(%arg0: i32) -> (i32, i32) {
    %c0_i32 = arith.constant 0 : i32
    %c0_i32_0 = arith.constant 0 : i32
    return %arg0, %c0_i32 : i32, i32
  }
  func.func @transform_3(%arg0: i32) -> (i32, i32) {
    %c0_i32 = arith.constant 0 : i32
    %c0_i32_0 = arith.constant 0 : i32
    %c0_i32_1 = arith.constant 0 : i32
    return %c0_i32, %c0_i32_0 : i32, i32
  }
  func.func @transform_4(%arg0: i32) -> (i32, i32) {
    %c0_i32 = arith.constant 0 : i32
    %c0_i32_0 = arith.constant 0 : i32
    return %arg0, %c0_i32 : i32, i32
  }
}

</mosaic_0001>

<sc_bundles>
// kernel: kernel.10.cloned.1.call-start
scs
__scs_entry_jumppad:
0x0: {  	(pc) =	sbr.rel $0x88, $3  }
0x1: {  	(tag) =	ssettag $0x0;
	lr =	simm.s32 $0x1  }
0x2: {  	[smem:$0x3F99] =	sst lr;
	_ =	strace $0xD0000000  }
0x3: {  	_ = 	snop  }
0x4: {  	_ = 	snop  }
0x5: {  	_ = 	snop  }
0x6: {  	_ = 	snop  }
0x7: {  	_ = 	snop  }
__scs_overlays_trampoline_lowered:
0x8: {  	[smem:$0x3FA8] =	sst s0  }
0x9: {  	[smem:$0x3FA9] =	sst s1  }
0xa: {  	[smem:$0x3FAA] =	sst s2  }
0xb: {  	[smem:$0x3FAB] =	sst s3  }
0xc: {  	[smem:$0x3FAC] =	sst s4  }
0xd: {  	[smem:$0x3FAD] =	sst s5  }
0xe: {  	[smem:$0x3FAE] =	sst s6  }
0xf: {  	[smem:$0x3FAF] =	sst s7  }
0x10: {  	[smem:$0x3FB0] =	sst s8  }
0x11: {  	[smem:$0x3FB1] =	sst s9;
	s0 =	simm.s32 @!p0 $0x0  }
0x12: {  	s1 =	sld [smem:$0x3F97];
	s0 =	simm.s32 @p0 $0x1  }
0x13: {  	[smem:$0x3FB2] =	sst s0;
	s0 =	simm.s32 @!p1 $0x0  }
0x14: {  	s2 =	sld [smem:$0x3F96];
	s0 =	simm.s32 @p1 $0x1  }
0x15: {  	[smem:$0x3FB3] =	sst s0;
	s0 =	simm.s32 @!p2 $0x0  }
0x16: {  	s3 =	sld [smem:$0x3FDB];
	s0 =	simm.s32 @p2 $0x1  }
0x17: {  	s4 =	simm.s32 $0x1BF5;
	[smem:$0x3FB5] =	sst s0  }
0x18: {  	s0 =	sld [smem:$0x3F98];
	_ =	swait.ge [sflag:s4], $0x0  }
0x19: {  	s7 =	sld [smem:$0x3F99]  }
0x1a: {  	s8 =	sadd.s32 $0xFFFFE003, lr  }
0x1b: {  	s9 =	sadd.s32 $0xFFFFFEF7, lr;
	s5 =	simm.s32 $0xFFFFFFFF;
	p2 =	slt.u32 s8, $0xFFFFF086  }
0x1c: {  	p1 =	slt.u32 s9, $0xF7A;
	s5 =	simm.s32 @!p2 $0x0  }
0x1d: {  	s5 =	simm.s32 @p1 $0x1;
	p0 =	seq.s32 s7, s2  }
0x1e: {  	s7 =	smul.u32 @!p0 $0xF7A, s2;
	p2 =	seq.s32 @!p0 s5, $0x0  }
0x1f: {  	s9 =	smul.u32 $0xF7A, s1;
	s8 =	simm.s32 @!p0 $0x1BF5;
	p2 =	por !p2, p0  }
0x20: {  	[sflag:s8] =	ssyncset.s32 @!p0 $0xFFFFF086;
	s6 =	sadd.s32 @!p0 s3, s7;
	s7 =	simm.s32 @!p0 $0x108  }
0x21: {  	s3 =	sadd.s32 s3, s9;
	s6 =	sadd.s32 @!p0 $0x88, s6;
	s7 =	simm.s32 @p2 $0x1082  }
0x22: {  	[simem:s7], [sflag:s8] =	dma.local @!p0 [hbm:s6], $0xF7A  }
0x23: {  	s9 =	sor.u32 $0xD0000000, s2;
	s6 =	simm.s32 $0x108;
	_ =	swait.ge @!p0 [sflag:s8], $0x0  }
0x24: {  	s3 =	sadd.s32 $0x88, s3;
	s6 =	simm.s32 @!p1 $0x1082;
	[sflag:s4] =	ssyncset.s32 $0xFFFFF086  }
0x25: {  	[simem:s6], [sflag:s4] =	dma.local [hbm:s3], $0xF7A  }
0x26: {  	[smem:$0x3F99] =	sst s1;
	(tag) =	ssettag s2;
	_ =	strace s9  }
0x27: {  	s1 =	sld [smem:$0x3FA9]  }
0x28: {  	s2 =	sld [smem:$0x3FAA]  }
0x29: {  	s4 =	sld [smem:$0x3FAC]  }
0x2a: {  	p0 =	seq.s32 s5, $0x0;
	s5 =	sld [smem:$0x3FAD]  }
0x2b: {  	s6 =	sld [smem:$0x3FAE]  }
0x2c: {  	s7 =	sld [smem:$0x3FAF]  }
0x2d: {  	s3 =	simm.s32 $0x108;
	s8 =	sld [smem:$0x3FB0]  }
0x2e: {  	s3 =	simm.s32 @!p0 $0x1082;
	s9 =	sld [smem:$0x3FB1]  }
0x2f: {  	lr =	sadd.s32 s0, s3;
	s0 =	sld [smem:$0x3FA8]  }
0x30: {  	s3 =	sld [smem:$0x3FAB]  }
0x31: {  	[smem:$0x3FB4] =	sst s10  }
0x32: {  	s10 =	sld [smem:$0x3FB2];
	_ =	sdelay $0x3  }
0x33: {  	p0 =	seq.s32 s10, $0x1;
	s10 =	sld [smem:$0x3FB4];
	_ =	sdelay $0x3  }
0x34: {  	[smem:$0x3FB4] =	sst s10  }
0x35: {  	s10 =	sld [smem:$0x3FB3];
	_ =	sdelay $0x3  }
0x36: {  	p1 =	seq.s32 s10, $0x1;
	s10 =	sld [smem:$0x3FB4];
	_ =	sdelay $0x3  }
0x37: {  	[smem:$0x3FB4] =	sst s10  }
0x38: {  	s10 =	sld [smem:$0x3FB5]  }
0x39: {  	_ = 	snop;
	(pc) =	sbr.ind lr, $3  }
0x3a: {  	_ = 	snop  }
0x3b: {  	_ = 	snop  }
0x3c: {  	p2 =	seq.s32 s10, $0x1;
	s10 =	sld [smem:$0x3FB4]  }
0x3d: {  	_ =	shalt  }
0x3e: {  	_ =	shalt  }
0x3f: {  	_ =	shalt  }
0x40: {  	_ =	shalt  }
0x41: {  	_ =	shalt  }
0x42: {  	_ =	shalt  }
0x43: {  	_ =	shalt  }
0x44: {  	_ =	shalt  }
0x45: {  	_ =	shalt  }
0x46: {  	_ =	shalt  }
0x47: {  	_ =	shalt  }
0x48: {  	_ =	shalt  }
0x49: {  	_ =	shalt  }
0x4a: {  	_ =	shalt  }
0x4b: {  	_ =	shalt  }
0x4c: {  	_ =	shalt  }
0x4d: {  	_ =	shalt  }
0x4e: {  	_ =	shalt  }
0x4f: {  	_ =	shalt  }
0x50: {  	_ =	shalt  }
0x51: {  	_ =	shalt  }
0x52: {  	_ =	shalt  }
0x53: {  	_ =	shalt  }
0x54: {  	_ =	shalt  }
0x55: {  	_ =	shalt  }
0x56: {  	_ =	shalt  }
0x57: {  	_ =	shalt  }
0x58: {  	_ =	shalt  }
0x59: {  	_ =	shalt  }
0x5a: {  	_ =	shalt  }
0x5b: {  	_ =	shalt  }
0x5c: {  	_ =	shalt  }
0x5d: {  	_ =	shalt  }
0x5e: {  	_ =	shalt  }
0x5f: {  	_ =	shalt  }
0x60: {  	_ =	shalt  }
0x61: {  	_ =	shalt  }
0x62: {  	_ =	shalt  }
0x63: {  	_ =	shalt  }
0x64: {  	_ =	shalt  }
0x65: {  	_ =	shalt  }
0x66: {  	_ =	shalt  }
0x67: {  	_ =	shalt  }
0x68: {  	_ =	shalt  }
0x69: {  	_ =	shalt  }
0x6a: {  	_ =	shalt  }
0x6b: {  	_ =	shalt  }
0x6c: {  	_ =	shalt  }
0x6d: {  	_ =	shalt  }
0x6e: {  	_ =	shalt  }
0x6f: {  	_ =	shalt  }
0x70: {  	_ =	shalt  }
0x71: {  	_ =	shalt  }
0x72: {  	_ =	shalt  }
0x73: {  	_ =	shalt  }
0x74: {  	_ =	shalt  }
0x75: {  	_ =	shalt  }
0x76: {  	_ =	shalt  }
0x77: {  	_ =	shalt  }
0x78: {  	_ =	shalt  }
0x79: {  	_ =	shalt  }
0x7a: {  	_ =	shalt  }
0x7b: {  	_ =	shalt  }
0x7c: {  	_ =	shalt  }
0x7d: {  	_ =	shalt  }
0x7e: {  	_ =	shalt  }
0x7f: {  	_ =	shalt  }
0x80: {  	_ =	shalt  }
0x81: {  	_ =	shalt  }
0x82: {  	_ =	shalt  }
0x83: {  	_ =	shalt  }
0x84: {  	_ =	shalt  }
0x85: {  	_ =	shalt  }
0x86: {  	_ =	shalt  }
0x87: {  	_ =	shalt  }
.Lfunc_end0:
.L_simem_size_0:
called_computation_lowered:
.L_overlay_start_0:
0x88: {  	s2 =	sld [smem:$0x3FD9]  }
0x89: {  	s3 =	sld [smem:$0x3FFE];
	_ =	sdelay $0x1  }
0x8a: {  	s1 =	srdreg.scid  }
0x8b: {  	s0 =	sand.u32 $0x1, s1  }
0x8c: {  	s17 =	sshll.u32 s0, $0xA;
	s2 =	sadd.s32 s3, s2  }
0x8d: {  	s2 =	sadd.s32 s2, s17  }
0x8e: {  	[smem:$0x3FC0] =	sst s2  }
0x8f: {  	_ = 	snop  }
0x90: {  	s2 =	sld [smem:$0x3FD0];
	(tm) =	ssettm $0x1  }
0x91: {  	s18 =	sld [smem:$0x3FFB];
	_ =	sdelay $0x3  }
0x92: {  	_ =	strace s18  }
0x93: {  	s3 =	sld [smem:$0x3FFC];
	_ =	sdelay $0x3  }
0x94: {  	_ =	strace s3  }
0x95: {  	s3 =	sld [smem:$0x3FFD];
	_ =	sdelay $0x3  }
0x96: {  	_ =	strace s3  }
0x97: {  	_ =	strace $0x8FFFFFFF  }
0x98: {  	s19 =	sld [smem:$0x3FDB];
	_ =	sdelay $0x1  }
0x99: {  	s4 =	simm.s32 $_scs_section_size  }
0x9a: {  	s5 =	simm.s32 $_size__tile_overlayer_lowered;
	s6 =	simm.s32 $_tile_overlayer_lowered  }
0x9b: {  	s22 =	simm.s32 $0x1BFF;
	s21 =	sshll.u32 s6, $0x1;
	s3 =	sadd.s32 s4, s19  }
0x9c: {  	s7 =	simm.s32 $0x0;
	s20 =	sshll.u32 s5, $0x1;
	s5 =	sadd.s32 s21, s3  }
0x9d: {  	[timem:s7], [sflag:s22] =	dma.local [hbm:s5], s20  }
0x9e: {  	_ =	swait.ge [sflag:s22], s20  }
0x9f: {  	s4 =	ssub.s32 $0x0, s20;
	[sflag:s22] =	ssyncset.done $0x0  }
0xa0: {  	[sflag:s22] =	ssyncadd.s32 s4;
	_ =	sdelay $0x1  }
0xa1: {  	s23 =	simm.s32 $0x1B8B  }
0xa2: {  	_ =	swait.ge [sflag:s23], $0x1  }
0xa3: {  	[sflag:s23] =	ssyncset.done $0x0  }
0xa4: {  	s25 =	simm.s32 $0x1B8E;
	s24 =	sld [smem:$0x3FFE];
	[sflag:s23] =	ssyncadd.s32 $0xFFFFFFFF  }
0xa5: {  	s26 =	simm.s32 $execute0_lowered;
	[smem:$0x3FD2] =	sst s25  }
0xa6: {  	s5 =	sshll.u32 s26, $0x1;
	_ =	strace $0x80000046;
	[dreg:$0x1] =	wrdreg $0xFFFFFFFF  }
0xa7: {  	s28 =	simm.s32 $_size_execute0_lowered;
	s3 =	sadd.s32 s3, s5;
	[dreg:$0x0] =	wrdreg $0x0  }
0xa8: {  	s5 =	sshll.u32 s28, $0x1;
	[dreg:$0x2] =	wrdreg s3  }
0xa9: {  	[dreg:$0x3] =	wrdreg s5  }
0xaa: {  	[dreg:$0x4] =	wrdreg $0xC0  }
0xab: {  	_ =	task [dreg:s7], $0x5FFFF  }
0xac: {  	[dreg:$0x1] =	wrdreg $0xFFFFFFFF  }
0xad: {  	[dreg:$0x0] =	wrdreg $0x60  }
0xae: {  	[dreg:$0x2] =	wrdreg s24  }
0xaf: {  	[dreg:$0x3] =	wrdreg s2  }
0xb0: {  	[dreg:$0x4] =	wrdreg $0x29900  }
0xb1: {  	[dreg:$0x5] =	wrdreg $0x9  }
0xb2: {  	_ =	task.clear_ibuf [dreg:s7], $0x6FFFF;
	_ =	strace $0x90000046  }
0xb3: {  	s29 =	simm.s32 $0x9;
	_ =	strace $0x80000048  }
0xb4: {  	_ =	swait.ge [sflag:s29], $0x1  }
0xb5: {  	[sflag:s29] =	ssyncadd.s32 $0xFFFFFFFF  }
0xb6: {  	_ =	strace $0x90000048  }
0xb7: {  	_ =	sfence  }
0xb8: {  	s30 =	sld [smem:$0x0];
	_ =	sdelay $0x2  }
0xb9: {  	s31 =	sshll.u32 s1, $0xD;
	s1 =	sshrl.u32 s1, $0x2  }
0xba: {  	s3 =	sand.u32 $0x4000, s31;
	s1 =	sadd.s32 s1, s30  }
0xbb: {  	s0 =	sor.u32 s3, s0;
	s1 =	sshll.u32 s1, $0x11  }
0xbc: {  	s0 =	sor.u32 s1, s0  }
0xbd: {  	s0 =	sadd.s32 $0x8F2B, s0  }
0xbe: {  	[sflag:s0] =	ssyncadd.remote.s32 $0x1  }
0xbf: {  	_ =	sfence.sel $0xFFFF  }
0xc0: {  	[dreg:$0x0] =	wrdreg $0xFFFFFFFF;
	(pc) =	sbr.abs _section_cstart, $3  }
0xc1: {  	[dreg:$0x1] =	wrdreg $0xFFFFFFFF  }
0xc2: {  	_ =	task.clear_ibuf [dreg:s7], $0x2FFFF;
	_ =	strace $0x9FFFFFFF  }
0xc3: {  	(tm) =	ssettm $0x7FFFFFFF  }
tec
execute0_lowered:
.L_overlay_start_1:
0x0: {  	(tag) =	ssettag $0x1  }
0x1: {  	s6 =	rddreg [dreg:$0x0]  }
0x2: {  	s2 =	rddreg [dreg:$0x1]  }
0x3: {  	s0 =	srdreg.scid;
	s3 =	rddreg [dreg:$0x2]  }
0x4: {  	s4 =	simm.s32 $0x0;
	s13 =	simm.s32 $0x50;
	s14 =	simm.s32 $0x1  }
0x5: {  	s15 =	simm.s32 $0x0;
	s5 =	sand.u32 $0x1, s0;
	s0 =	stileid.u32  }
0x6: {  	[smem:$0x7FF] =	sst s4;
	s1 =	sshll.u32 s5, $0x4;
	s8 =	smul.u32 $0x1400, s0  }
0x7: {  	s9 =	smul.u32 $0x14000, s5;
	s5 =	ssub.s32 $0x2, s5;
	s1 =	sor.u32 s0, s1  }
0x8: {  	s31 =	sshll.u32 s0, $0x6;
	s11 =	sshrl.u32 s5, $0x1;
	s7 =	smul.u32 $0x4E2, s1  }
0x9: {  	s1 =	rddreg [dreg:$0x3];
	_ =	strace $0x80000047;
	s10 =	sshrl.u32 s8, $0x3  }
0xa: {  	s9 =	sadd.s32 s8, s9;
	s11 =	ssub.s32 s5, s11;
	s12 =	sadd.s32 s8, s3  }
0xb: {  	s10 =	sadd.s32 s10, s6;
	s9 =	sshrl.u32 s9, $0x3;
	s7 =	sadd.s32 s7, s6  }
0xc: {  	s9 =	sadd.s32 s9, s6;
	s5 =	sadd.s32 $0x15200, s10;
	s6 =	sor.u32 $0x1C02, s31  }
0xd: {  	s10 =	sshrl.u32 s12, $0x3;
	s12 =	simm.s32 $0x2710;
	s7 =	sadd.s32 $0xB400, s7  }
0xe: {  	s8 =	sadd.s32 $0x17A00, s9;
	s9 =	smax.u32 s11, $0x1;
	s11 =	simm.s32 $0x2  }
.LBB2_1:
0xf: {  	[spmem:s10], [sflag:s6] =	dma.local [hbm:s5], $0x280  }
0x10: {  	_ =	swait.ge [sflag:s11], $0x280  }
0x11: {  	[sflag:s11] =	ssyncset.done $0x0  }
0x12: {  	[sflag:s11] =	ssyncadd.s32 $0xFFFFFD80  }
0x13: {  	[tilespmem:s12], [sflag:$0x2] =	stream.linear.gather [hbm4b:s2+s4], $0x280, $0x38;
	[tilespmem:$0x3D90] =	vst v63  }
0x14: {  	_ =	swait.ge [sflag:s11], $0x280  }
0x15: {  	[sflag:s11] =	ssyncset.done $0x0  }
0x16: {  	[sflag:s11] =	ssyncadd.s32 $0xFFFFFD80  }
0x17: {  	[tilespmem:s4], [sflag:$0x2] =	stream.linear.gather [hbm4b:s7+s4], $0x2710, $0x38;
	[tilespmem:$0x3D90] =	vst v63  }
0x18: {  	_ =	swait.ge [sflag:s11], $0x2710  }
0x19: {  	[sflag:s11] =	ssyncset.done $0x0  }
0x1a: {  	[sflag:s11] =	ssyncadd.s32 $0xFFFFD8F0  }
0x1b: {  	s16 =	simm.s32 $0x0;
	[bflag:$0x0] =	sbarrier.arrive $0xFFFF  }
0x1c: {  	[spmem:s3] =	stream.indirect.scatter.add.f32 [tilespmem:s12], [sflag:$0x1], $0x8, s16, s13, $0xb8;
	[tilespmem:$0x3D90] =	vst v63  }
0x1d: {  	_ =	swait.ge [sflag:s14], $0x280  }
0x1e: {  	s16 =	simm.s32 $0x140;
	[sflag:s14] =	ssyncset.done $0x0  }
.LBB2_2:
0x1f: {  	s17 =	sshra.s32 s16, $0x2;
	[sflag:s14] =	ssyncadd.s32 $0xFFFFFD80;
	p0 =	sne.s32 s16, $0x9B00  }
0x20: {  	[spmem:s3] =	stream.indirect.scatter.add.f32 [tilespmem:s12], [sflag:$0x1], $0x8, s17, s13, $0xb8;
	[tilespmem:$0x3D90] =	vst v63  }
.Ltmp0:
0x21: {  	_ = 	snop;
	(pc) =	sbr.rel @p0 .LBB2_2-.Ltmp0, $4  }
0x22: {  	_ = 	snop  }
0x23: {  	s16 =	sadd.s32 $0x140, s16  }
0x24: {  	_ =	swait.ge [sflag:s14], $0x280  }
0x25: {  	[sflag:s14] =	ssyncset.done $0x0  }
0x26: {  	s15 =	sadd.s32 $0x1, s15  }
0x27: {  	[sflag:s14] =	ssyncadd.s32 $0xFFFFFD80;
	p0 =	sne.s32 s15, s9  }
.Ltmp1:
0x28: {  	[bflag:$0x0] =	sbarrier.arrive $0xFFFF;
	(pc) =	sbr.rel @p0 .LBB2_1-.Ltmp1, $4  }
0x29: {  	[hbm:s8], [sflag:s6] =	dma.local [spmem:s10], $0x280  }
0x2a: {  	_ =	swait.ge [sflag:s11], $0x280  }
0x2b: {  	[sflag:s11] =	ssyncset.done $0x0  }
0x2c: {  	[sflag:s11] =	ssyncadd.s32 $0xFFFFFD80  }
0x2d: {  	_ =	sfence.sel $0x180000  }
0x2e: {  	[bflag:$0x0] =	sbarrier.arrive $0xFFFF  }
0x2f: {  	p0 =	sne.s32 s0, $0x0;
	_ =	strace $0x90000047  }
0x30: {  	s0 =	sadd.s32 @!p0 $0x100000, s1;
	[bflag:$0x2] =	sbarrier.arrive $0xFFFF  }
0x31: {  	[sflag:s0] =	ssyncadd.tile.s32 @!p0 $0x1;
	_ =	shalt  }
.Lfunc_end2:
_tile_overlayer_lowered:
.L_overlay_start_2:
0x32: {  	(tag) =	ssettag $0x2  }
0x33: {  	s0 =	rddreg [dreg:$0x0];
	s2 =	stileid.u32  }
0x34: {  	s1 =	rddreg [dreg:$0x1];
	p0 =	sne.s32 s2, $0x0  }
0x35: {  	s3 =	rddreg [dreg:$0x2];
	[bflag:$0x3] =	sbarrier.arrive $0xFFFF;
	s2 =	simm.s32 @!p0 $0x1C02  }
0x36: {  	[timem:s3], [sflag:s2] =	dma.local @!p0 [hbm:s0], s1  }
0x37: {  	s0 =	simm.s32 @!p0 $0x2  }
0x38: {  	_ =	swait.ge @!p0 [sflag:s0], s1  }
0x39: {  	s1 =	ssub.s32 @!p0 $0x0, s1;
	[sflag:s0] =	ssyncset.done @!p0 $0x0  }
0x3a: {  	[sflag:s0] =	ssyncadd.s32 @!p0 s1  }
0x3b: {  	[bflag:$0x3] =	sbarrier.arrive $0xFFFF  }
0x3c: {  	_ =	shalt  }

// kernel: kernel.13.cloned.1.call-start
scs
__scs_entry_jumppad:
0x0: {  	(pc) =	sbr.rel $0x88, $3  }
0x1: {  	(tag) =	ssettag $0x0;
	lr =	simm.s32 $0x1  }
0x2: {  	[smem:$0x3F99] =	sst lr;
	_ =	strace $0xD0000000  }
0x3: {  	_ = 	snop  }
0x4: {  	_ = 	snop  }
0x5: {  	_ = 	snop  }
0x6: {  	_ = 	snop  }
0x7: {  	_ = 	snop  }
__scs_overlays_trampoline_lowered:
0x8: {  	[smem:$0x3FA8] =	sst s0  }
0x9: {  	[smem:$0x3FA9] =	sst s1  }
0xa: {  	[smem:$0x3FAA] =	sst s2  }
0xb: {  	[smem:$0x3FAB] =	sst s3  }
0xc: {  	[smem:$0x3FAC] =	sst s4  }
0xd: {  	[smem:$0x3FAD] =	sst s5  }
0xe: {  	[smem:$0x3FAE] =	sst s6  }
0xf: {  	[smem:$0x3FAF] =	sst s7  }
0x10: {  	[smem:$0x3FB0] =	sst s8  }
0x11: {  	[smem:$0x3FB1] =	sst s9;
	s0 =	simm.s32 @!p0 $0x0  }
0x12: {  	s1 =	sld [smem:$0x3F97];
	s0 =	simm.s32 @p0 $0x1  }
0x13: {  	[smem:$0x3FB2] =	sst s0;
	s0 =	simm.s32 @!p1 $0x0  }
0x14: {  	s2 =	sld [smem:$0x3F96];
	s0 =	simm.s32 @p1 $0x1  }
0x15: {  	[smem:$0x3FB3] =	sst s0;
	s0 =	simm.s32 @!p2 $0x0  }
0x16: {  	s3 =	sld [smem:$0x3FDB];
	s0 =	simm.s32 @p2 $0x1  }
0x17: {  	s4 =	simm.s32 $0x1BF5;
	[smem:$0x3FB5] =	sst s0  }
0x18: {  	s0 =	sld [smem:$0x3F98];
	_ =	swait.ge [sflag:s4], $0x0  }
0x19: {  	s7 =	sld [smem:$0x3F99]  }
0x1a: {  	s8 =	sadd.s32 $0xFFFFE003, lr  }
0x1b: {  	s9 =	sadd.s32 $0xFFFFFEF7, lr;
	s5 =	simm.s32 $0xFFFFFFFF;
	p2 =	slt.u32 s8, $0xFFFFF086  }
0x1c: {  	p1 =	slt.u32 s9, $0xF7A;
	s5 =	simm.s32 @!p2 $0x0  }
0x1d: {  	s5 =	simm.s32 @p1 $0x1;
	p0 =	seq.s32 s7, s2  }
0x1e: {  	s7 =	smul.u32 @!p0 $0xF7A, s2;
	p2 =	seq.s32 @!p0 s5, $0x0  }
0x1f: {  	s9 =	smul.u32 $0xF7A, s1;
	s8 =	simm.s32 @!p0 $0x1BF5;
	p2 =	por !p2, p0  }
0x20: {  	[sflag:s8] =	ssyncset.s32 @!p0 $0xFFFFF086;
	s6 =	sadd.s32 @!p0 s3, s7;
	s7 =	simm.s32 @!p0 $0x108  }
0x21: {  	s3 =	sadd.s32 s3, s9;
	s6 =	sadd.s32 @!p0 $0x88, s6;
	s7 =	simm.s32 @p2 $0x1082  }
0x22: {  	[simem:s7], [sflag:s8] =	dma.local @!p0 [hbm:s6], $0xF7A  }
0x23: {  	s9 =	sor.u32 $0xD0000000, s2;
	s6 =	simm.s32 $0x108;
	_ =	swait.ge @!p0 [sflag:s8], $0x0  }
0x24: {  	s3 =	sadd.s32 $0x88, s3;
	s6 =	simm.s32 @!p1 $0x1082;
	[sflag:s4] =	ssyncset.s32 $0xFFFFF086  }
0x25: {  	[simem:s6], [sflag:s4] =	dma.local [hbm:s3], $0xF7A  }
0x26: {  	[smem:$0x3F99] =	sst s1;
	(tag) =	ssettag s2;
	_ =	strace s9  }
0x27: {  	s1 =	sld [smem:$0x3FA9]  }
0x28: {  	s2 =	sld [smem:$0x3FAA]  }
0x29: {  	s4 =	sld [smem:$0x3FAC]  }
0x2a: {  	p0 =	seq.s32 s5, $0x0;
	s5 =	sld [smem:$0x3FAD]  }
0x2b: {  	s6 =	sld [smem:$0x3FAE]  }
0x2c: {  	s7 =	sld [smem:$0x3FAF]  }
0x2d: {  	s3 =	simm.s32 $0x108;
	s8 =	sld [smem:$0x3FB0]  }
0x2e: {  	s3 =	simm.s32 @!p0 $0x1082;
	s9 =	sld [smem:$0x3FB1]  }
0x2f: {  	lr =	sadd.s32 s0, s3;
	s0 =	sld [smem:$0x3FA8]  }
0x30: {  	s3 =	sld [smem:$0x3FAB]  }
0x31: {  	[smem:$0x3FB4] =	sst s10  }
0x32: {  	s10 =	sld [smem:$0x3FB2];
	_ =	sdelay $0x3  }
0x33: {  	p0 =	seq.s32 s10, $0x1;
	s10 =	sld [smem:$0x3FB4];
	_ =	sdelay $0x3  }
0x34: {  	[smem:$0x3FB4] =	sst s10  }
0x35: {  	s10 =	sld [smem:$0x3FB3];
	_ =	sdelay $0x3  }
0x36: {  	p1 =	seq.s32 s10, $0x1;
	s10 =	sld [smem:$0x3FB4];
	_ =	sdelay $0x3  }
0x37: {  	[smem:$0x3FB4] =	sst s10  }
0x38: {  	s10 =	sld [smem:$0x3FB5]  }
0x39: {  	_ = 	snop;
	(pc) =	sbr.ind lr, $3  }
0x3a: {  	_ = 	snop  }
0x3b: {  	_ = 	snop  }
0x3c: {  	p2 =	seq.s32 s10, $0x1;
	s10 =	sld [smem:$0x3FB4]  }
0x3d: {  	_ =	shalt  }
0x3e: {  	_ =	shalt  }
0x3f: {  	_ =	shalt  }
0x40: {  	_ =	shalt  }
0x41: {  	_ =	shalt  }
0x42: {  	_ =	shalt  }
0x43: {  	_ =	shalt  }
0x44: {  	_ =	shalt  }
0x45: {  	_ =	shalt  }
0x46: {  	_ =	shalt  }
0x47: {  	_ =	shalt  }
0x48: {  	_ =	shalt  }
0x49: {  	_ =	shalt  }
0x4a: {  	_ =	shalt  }
0x4b: {  	_ =	shalt  }
0x4c: {  	_ =	shalt  }
0x4d: {  	_ =	shalt  }
0x4e: {  	_ =	shalt  }
0x4f: {  	_ =	shalt  }
0x50: {  	_ =	shalt  }
0x51: {  	_ =	shalt  }
0x52: {  	_ =	shalt  }
0x53: {  	_ =	shalt  }
0x54: {  	_ =	shalt  }
0x55: {  	_ =	shalt  }
0x56: {  	_ =	shalt  }
0x57: {  	_ =	shalt  }
0x58: {  	_ =	shalt  }
0x59: {  	_ =	shalt  }
0x5a: {  	_ =	shalt  }
0x5b: {  	_ =	shalt  }
0x5c: {  	_ =	shalt  }
0x5d: {  	_ =	shalt  }
0x5e: {  	_ =	shalt  }
0x5f: {  	_ =	shalt  }
0x60: {  	_ =	shalt  }
0x61: {  	_ =	shalt  }
0x62: {  	_ =	shalt  }
0x63: {  	_ =	shalt  }
0x64: {  	_ =	shalt  }
0x65: {  	_ =	shalt  }
0x66: {  	_ =	shalt  }
0x67: {  	_ =	shalt  }
0x68: {  	_ =	shalt  }
0x69: {  	_ =	shalt  }
0x6a: {  	_ =	shalt  }
0x6b: {  	_ =	shalt  }
0x6c: {  	_ =	shalt  }
0x6d: {  	_ =	shalt  }
0x6e: {  	_ =	shalt  }
0x6f: {  	_ =	shalt  }
0x70: {  	_ =	shalt  }
0x71: {  	_ =	shalt  }
0x72: {  	_ =	shalt  }
0x73: {  	_ =	shalt  }
0x74: {  	_ =	shalt  }
0x75: {  	_ =	shalt  }
0x76: {  	_ =	shalt  }
0x77: {  	_ =	shalt  }
0x78: {  	_ =	shalt  }
0x79: {  	_ =	shalt  }
0x7a: {  	_ =	shalt  }
0x7b: {  	_ =	shalt  }
0x7c: {  	_ =	shalt  }
0x7d: {  	_ =	shalt  }
0x7e: {  	_ =	shalt  }
0x7f: {  	_ =	shalt  }
0x80: {  	_ =	shalt  }
0x81: {  	_ =	shalt  }
0x82: {  	_ =	shalt  }
0x83: {  	_ =	shalt  }
0x84: {  	_ =	shalt  }
0x85: {  	_ =	shalt  }
0x86: {  	_ =	shalt  }
0x87: {  	_ =	shalt  }
.Lfunc_end0:
.L_simem_size_0:
called_computation.1_lowered:
.L_overlay_start_0:
0x88: {  	s2 =	sld [smem:$0x3FD9]  }
0x89: {  	s3 =	sld [smem:$0x3FFE];
	_ =	sdelay $0x1  }
0x8a: {  	s1 =	srdreg.scid  }
0x8b: {  	s0 =	sand.u32 $0x1, s1  }
0x8c: {  	s16 =	sshll.u32 s0, $0xA;
	s2 =	sadd.s32 s3, s2  }
0x8d: {  	s2 =	sadd.s32 s2, s16  }
0x8e: {  	[smem:$0x3FC0] =	sst s2  }
0x8f: {  	_ = 	snop  }
0x90: {  	(tm) =	ssettm $0x1  }
0x91: {  	s17 =	sld [smem:$0x3FFB];
	_ =	sdelay $0x3  }
0x92: {  	_ =	strace s17  }
0x93: {  	s2 =	sld [smem:$0x3FFC];
	_ =	sdelay $0x3  }
0x94: {  	_ =	strace s2  }
0x95: {  	s2 =	sld [smem:$0x3FFD];
	_ =	sdelay $0x3  }
0x96: {  	_ =	strace s2  }
0x97: {  	_ =	strace $0x8FFFFFFF  }
0x98: {  	s18 =	sld [smem:$0x3FDB];
	_ =	sdelay $0x1  }
0x99: {  	s19 =	simm.s32 $_scs_section_size  }
0x9a: {  	s4 =	simm.s32 $_size__tile_overlayer_lowered;
	s5 =	simm.s32 $_tile_overlayer_lowered  }
0x9b: {  	s22 =	simm.s32 $0x1BFF;
	s21 =	sshll.u32 s5, $0x1;
	s2 =	sadd.s32 s19, s18  }
0x9c: {  	s6 =	simm.s32 $0x0;
	s20 =	sshll.u32 s4, $0x1;
	s4 =	sadd.s32 s21, s2  }
0x9d: {  	[timem:s6], [sflag:s22] =	dma.local [hbm:s4], s20  }
0x9e: {  	_ =	swait.ge [sflag:s22], s20  }
0x9f: {  	s3 =	ssub.s32 $0x0, s20;
	[sflag:s22] =	ssyncset.done $0x0  }
0xa0: {  	[sflag:s22] =	ssyncadd.s32 s3;
	_ =	sdelay $0x1  }
0xa1: {  	s23 =	simm.s32 $0x1B8B  }
0xa2: {  	_ =	swait.ge [sflag:s23], $0x1  }
0xa3: {  	[sflag:s23] =	ssyncset.done $0x0  }
0xa4: {  	s25 =	simm.s32 $0x1B8E;
	s24 =	sld [smem:$0x3FFE];
	[sflag:s23] =	ssyncadd.s32 $0xFFFFFFFF  }
0xa5: {  	s26 =	simm.s32 $execute0_lowered;
	[smem:$0x3FD2] =	sst s25  }
0xa6: {  	s4 =	sshll.u32 s26, $0x1;
	_ =	strace $0x80000049;
	[dreg:$0x1] =	wrdreg $0xFFFFFFFF  }
0xa7: {  	s28 =	simm.s32 $_size_execute0_lowered;
	s2 =	sadd.s32 s2, s4;
	[dreg:$0x0] =	wrdreg $0x0  }
0xa8: {  	s4 =	sshll.u32 s28, $0x1;
	[dreg:$0x2] =	wrdreg s2  }
0xa9: {  	[dreg:$0x3] =	wrdreg s4  }
0xaa: {  	[dreg:$0x4] =	wrdreg $0xC0  }
0xab: {  	_ =	task [dreg:s6], $0x5FFFF  }
0xac: {  	[dreg:$0x1] =	wrdreg $0xFFFFFFFF  }
0xad: {  	[dreg:$0x0] =	wrdreg $0x60  }
0xae: {  	[dreg:$0x2] =	wrdreg s24  }
0xaf: {  	[dreg:$0x3] =	wrdreg $0x62200  }
0xb0: {  	[dreg:$0x4] =	wrdreg $0x9  }
0xb1: {  	_ =	task.clear_ibuf [dreg:s6], $0x5FFFF;
	_ =	strace $0x90000049  }
0xb2: {  	s29 =	simm.s32 $0x9;
	_ =	strace $0x8000004B  }
0xb3: {  	_ =	swait.ge [sflag:s29], $0x1  }
0xb4: {  	[sflag:s29] =	ssyncadd.s32 $0xFFFFFFFF  }
0xb5: {  	_ =	strace $0x9000004B  }
0xb6: {  	_ =	sfence  }
0xb7: {  	s30 =	sld [smem:$0x0];
	_ =	sdelay $0x2  }
0xb8: {  	s31 =	sshll.u32 s1, $0xD;
	s1 =	sshrl.u32 s1, $0x2  }
0xb9: {  	s3 =	sand.u32 $0x4000, s31;
	s1 =	sadd.s32 s1, s30  }
0xba: {  	s0 =	sor.u32 s3, s0;
	s1 =	sshll.u32 s1, $0x11  }
0xbb: {  	s0 =	sor.u32 s1, s0  }
0xbc: {  	s0 =	sadd.s32 $0x8F2B, s0  }
0xbd: {  	[sflag:s0] =	ssyncadd.remote.s32 $0x1  }
0xbe: {  	_ =	sfence.sel $0xFFFF  }
0xbf: {  	[dreg:$0x0] =	wrdreg $0xFFFFFFFF;
	(pc) =	sbr.abs _section_cstart, $3  }
0xc0: {  	[dreg:$0x1] =	wrdreg $0xFFFFFFFF  }
0xc1: {  	_ =	task.clear_ibuf [dreg:s6], $0x2FFFF;
	_ =	strace $0x9FFFFFFF  }
0xc2: {  	(tm) =	ssettm $0x7FFFFFFF  }
0xc3: {  	_ =	shalt  }
tec
execute0_lowered:
.L_overlay_start_1:
0x0: {  	(tag) =	ssettag $0x1  }
0x1: {  	s6 =	rddreg [dreg:$0x0]  }
0x2: {  	s0 =	srdreg.scid;
	s2 =	rddreg [dreg:$0x1];
	s3 =	simm.s32 $0x0  }
0x3: {  	s13 =	simm.s32 $0x2710;
	s14 =	simm.s32 $0x50;
	s15 =	simm.s32 $0x4E20  }
0x4: {  	s16 =	simm.s32 $0x1;
	s17 =	simm.s32 $0x2;
	s18 =	simm.s32 $0x0  }
0x5: {  	s5 =	sand.u32 $0x1, s0;
	s0 =	stileid.u32;
	[smem:$0x7FF] =	sst s3  }
0x6: {  	s4 =	sadd.s32 $0x17A00, s6;
	s1 =	sshll.u32 s5, $0x4;
	s8 =	smul.u32 $0xA000, s0  }
0x7: {  	s9 =	smul.u32 $0xA0000, s5;
	s5 =	ssub.s32 $0x2, s5;
	s1 =	sor.u32 s0, s1  }
0x8: {  	s31 =	sshll.u32 s0, $0x6;
	s11 =	sshrl.u32 s5, $0x1;
	s7 =	smul.u32 $0x4E2, s1  }
0x9: {  	s1 =	rddreg [dreg:$0x2];
	_ =	strace $0x8000004A;
	s30 =	sshrl.u32 s8, $0x3  }
0xa: {  	s9 =	sadd.s32 s8, s9;
	s11 =	ssub.s32 s5, s11;
	s12 =	sadd.s32 s8, s2  }
0xb: {  	s9 =	sshrl.u32 s9, $0x3;
	s10 =	sadd.s32 s7, s6;
	s7 =	sadd.s32 s30, s6  }
0xc: {  	s9 =	sadd.s32 s9, s6;
	s6 =	sor.u32 $0x1C03, s31;
	s5 =	sadd.s32 $0x2BA00, s7  }
0xd: {  	s7 =	sadd.s32 $0x1600, s10;
	s8 =	sadd.s32 $0xB400, s10;
	s9 =	sadd.s32 $0x3FA00, s9  }
0xe: {  	s10 =	smax.u32 s11, $0x1;
	s11 =	sshrl.u32 s12, $0x3;
	s12 =	simm.s32 $0x3  }
.LBB2_1:
0xf: {  	[spmem:s11], [sflag:s6] =	dma.local [hbm:s5], $0x1400  }
0x10: {  	_ =	swait.ge [sflag:s12], $0x1400  }
0x11: {  	[sflag:s12] =	ssyncset.done $0x0  }
0x12: {  	[sflag:s12] =	ssyncadd.s32 $0xFFFFEC00  }
0x13: {  	[tilespmem:s3], [sflag:$0x3] =	stream.linear.gather [hbm4b:s7+s3], $0x2710, $0x38;
	[tilespmem:$0x10220] =	vst v63  }
0x14: {  	_ =	swait.ge [sflag:s12], $0x2710  }
0x15: {  	[sflag:s12] =	ssyncset.done $0x0  }
0x16: {  	[sflag:s12] =	ssyncadd.s32 $0xFFFFD8F0  }
0x17: {  	[tilespmem:s13], [sflag:$0x3] =	stream.linear.gather [hbm4b:s8+s3], $0x2710, $0x38;
	[tilespmem:$0x10220] =	vst v63  }
0x18: {  	_ =	swait.ge [sflag:s12], $0x2710  }
0x19: {  	[sflag:s12] =	ssyncset.done $0x0  }
0x1a: {  	[sflag:s12] =	ssyncadd.s32 $0xFFFFD8F0  }
0x1b: {  	s19 =	simm.s32 $0x0;
	[bflag:$0x0] =	sbarrier.arrive $0xFFFF  }
0x1c: {  	[tilespmem:s15], [sflag:$0x1] =	stream.indirect.gather [hbm4b:s4+s14], $0x40, s19, s14, $0xb8;
	[tilespmem:$0x10220] =	vst v63  }
0x1d: {  	_ =	swait.ge [sflag:s16], $0x1400  }
0x1e: {  	[sflag:s16] =	ssyncset.done $0x0  }
0x1f: {  	s31 =	simm.s32 $0x2710;
	[sflag:s16] =	ssyncadd.s32 $0xFFFFEC00  }
0x20: {  	[spmem:s2] =	stream.indirect.scatter.add.f32 [tilespmem:s15], [sflag:$0x2], $0x40, s31, s14, $0xb8;
	[tilespmem:$0x10220] =	vst v63  }
0x21: {  	_ =	swait.ge [sflag:s17], $0x1400  }
0x22: {  	s20 =	simm.s32 $0x280;
	s19 =	simm.s32 $0x140;
	[sflag:s17] =	ssyncset.done $0x0  }
.LBB2_2:
0x23: {  	s21 =	sshra.s32 s19, $0x2  }
0x24: {  	[sflag:s17] =	ssyncadd.s32 $0xFFFFEC00;
	s19 =	smov.u32 s20;
	s22 =	sadd.s32 $0x140, s20  }
0x25: {  	[tilespmem:s15], [sflag:$0x1] =	stream.indirect.gather [hbm4b:s4+s14], $0x40, s21, s14, $0xb8;
	[tilespmem:$0x10220] =	vst v63  }
0x26: {  	p0 =	sne.s32 s20, $0x9B00;
	_ =	swait.ge [sflag:s16], $0x1400  }
.Ltmp0:
0x27: {  	[sflag:s16] =	ssyncset.done $0x0;
	(pc) =	sbr.rel @p0 .LBB2_2-.Ltmp0, $4  }
0x28: {  	s20 =	sadd.s32 $0x2710, s21;
	[sflag:s16] =	ssyncadd.s32 $0xFFFFEC00  }
0x29: {  	[spmem:s2] =	stream.indirect.scatter.add.f32 [tilespmem:s15], [sflag:$0x2], $0x40, s20, s14, $0xb8;
	[tilespmem:$0x10220] =	vst v63  }
0x2a: {  	_ =	swait.ge [sflag:s17], $0x1400  }
0x2b: {  	s20 =	smov.u32 s22;
	[sflag:s17] =	ssyncset.done $0x0  }
0x2c: {  	s19 =	sshra.s32 s19, $0x2;
	[sflag:s17] =	ssyncadd.s32 $0xFFFFEC00  }
0x2d: {  	[tilespmem:s15], [sflag:$0x1] =	stream.indirect.gather [hbm4b:s4+s14], $0x40, s19, s14, $0xb8;
	[tilespmem:$0x10220] =	vst v63  }
0x2e: {  	_ =	swait.ge [sflag:s16], $0x1400  }
0x2f: {  	[sflag:s16] =	ssyncset.done $0x0  }
0x30: {  	s19 =	sadd.s32 $0x2710, s19;
	[sflag:s16] =	ssyncadd.s32 $0xFFFFEC00  }
0x31: {  	[spmem:s2] =	stream.indirect.scatter.add.f32 [tilespmem:s15], [sflag:$0x2], $0x40, s19, s14, $0xb8;
	[tilespmem:$0x10220] =	vst v63  }
0x32: {  	_ =	swait.ge [sflag:s17], $0x1400  }
0x33: {  	s18 =	sadd.s32 $0x1, s18;
	[sflag:s17] =	ssyncset.done $0x0  }
0x34: {  	p0 =	sne.s32 s18, s10;
	[sflag:s17] =	ssyncadd.s32 $0xFFFFEC00  }
.Ltmp1:
0x35: {  	[bflag:$0x0] =	sbarrier.arrive $0xFFFF;
	(pc) =	sbr.rel @p0 .LBB2_1-.Ltmp1, $4  }
0x36: {  	[hbm:s9], [sflag:s6] =	dma.local [spmem:s11], $0x1400  }
0x37: {  	_ =	swait.ge [sflag:s12], $0x1400  }
0x38: {  	[sflag:s12] =	ssyncset.done $0x0  }
0x39: {  	[sflag:s12] =	ssyncadd.s32 $0xFFFFEC00  }
0x3a: {  	_ =	sfence.sel $0x180000  }
0x3b: {  	[bflag:$0x0] =	sbarrier.arrive $0xFFFF  }
0x3c: {  	p0 =	sne.s32 s0, $0x0;
	_ =	strace $0x9000004A  }
0x3d: {  	s0 =	sadd.s32 @!p0 $0x100000, s1;
	[bflag:$0x2] =	sbarrier.arrive $0xFFFF  }
0x3e: {  	[sflag:s0] =	ssyncadd.tile.s32 @!p0 $0x1;
	_ =	shalt  }
.Lfunc_end2:
_tile_overlayer_lowered:
.L_overlay_start_2:
0x3f: {  	(tag) =	ssettag $0x2  }
0x40: {  	s0 =	rddreg [dreg:$0x0];
	s2 =	stileid.u32  }
0x41: {  	s1 =	rddreg [dreg:$0x1];
	p0 =	sne.s32 s2, $0x0  }
0x42: {  	s3 =	rddreg [dreg:$0x2];
	[bflag:$0x3] =	sbarrier.arrive $0xFFFF;
	s2 =	simm.s32 @!p0 $0x1C03  }
0x43: {  	[timem:s3], [sflag:s2] =	dma.local @!p0 [hbm:s0], s1  }
0x44: {  	s0 =	simm.s32 @!p0 $0x3  }
0x45: {  	_ =	swait.ge @!p0 [sflag:s0], s1  }
0x46: {  	s1 =	ssub.s32 @!p0 $0x0, s1;
	[sflag:s0] =	ssyncset.done @!p0 $0x0  }
0x47: {  	[sflag:s0] =	ssyncadd.s32 @!p0 s1  }
0x48: {  	[bflag:$0x3] =	sbarrier.arrive $0xFFFF  }
0x49: {  	_ =	shalt  }

// kernel: kernel.16.cloned.1.call-start
scs
__scs_entry_jumppad:
0x0: {  	(pc) =	sbr.rel $0x88, $3  }
0x1: {  	(tag) =	ssettag $0x0;
	lr =	simm.s32 $0x1  }
0x2: {  	[smem:$0x3F99] =	sst lr;
	_ =	strace $0xD0000000  }
0x3: {  	_ = 	snop  }
0x4: {  	_ = 	snop  }
0x5: {  	_ = 	snop  }
0x6: {  	_ = 	snop  }
0x7: {  	_ = 	snop  }
__scs_overlays_trampoline_lowered:
0x8: {  	[smem:$0x3FA8] =	sst s0  }
0x9: {  	[smem:$0x3FA9] =	sst s1  }
0xa: {  	[smem:$0x3FAA] =	sst s2  }
0xb: {  	[smem:$0x3FAB] =	sst s3  }
0xc: {  	[smem:$0x3FAC] =	sst s4  }
0xd: {  	[smem:$0x3FAD] =	sst s5  }
0xe: {  	[smem:$0x3FAE] =	sst s6  }
0xf: {  	[smem:$0x3FAF] =	sst s7  }
0x10: {  	[smem:$0x3FB0] =	sst s8  }
0x11: {  	[smem:$0x3FB1] =	sst s9;
	s0 =	simm.s32 @!p0 $0x0  }
0x12: {  	s1 =	sld [smem:$0x3F97];
	s0 =	simm.s32 @p0 $0x1  }
0x13: {  	[smem:$0x3FB2] =	sst s0;
	s0 =	simm.s32 @!p1 $0x0  }
0x14: {  	s2 =	sld [smem:$0x3F96];
	s0 =	simm.s32 @p1 $0x1  }
0x15: {  	[smem:$0x3FB3] =	sst s0;
	s0 =	simm.s32 @!p2 $0x0  }
0x16: {  	s3 =	sld [smem:$0x3FDB];
	s0 =	simm.s32 @p2 $0x1  }
0x17: {  	s4 =	simm.s32 $0x1BF5;
	[smem:$0x3FB5] =	sst s0  }
0x18: {  	s0 =	sld [smem:$0x3F98];
	_ =	swait.ge [sflag:s4], $0x0  }
0x19: {  	s7 =	sld [smem:$0x3F99]  }
0x1a: {  	s8 =	sadd.s32 $0xFFFFE003, lr  }
0x1b: {  	s9 =	sadd.s32 $0xFFFFFEF7, lr;
	s5 =	simm.s32 $0xFFFFFFFF;
	p2 =	slt.u32 s8, $0xFFFFF086  }
0x1c: {  	p1 =	slt.u32 s9, $0xF7A;
	s5 =	simm.s32 @!p2 $0x0  }
0x1d: {  	s5 =	simm.s32 @p1 $0x1;
	p0 =	seq.s32 s7, s2  }
0x1e: {  	s7 =	smul.u32 @!p0 $0xF7A, s2;
	p2 =	seq.s32 @!p0 s5, $0x0  }
0x1f: {  	s9 =	smul.u32 $0xF7A, s1;
	s8 =	simm.s32 @!p0 $0x1BF5;
	p2 =	por !p2, p0  }
0x20: {  	[sflag:s8] =	ssyncset.s32 @!p0 $0xFFFFF086;
	s6 =	sadd.s32 @!p0 s3, s7;
	s7 =	simm.s32 @!p0 $0x108  }
0x21: {  	s3 =	sadd.s32 s3, s9;
	s6 =	sadd.s32 @!p0 $0x88, s6;
	s7 =	simm.s32 @p2 $0x1082  }
0x22: {  	[simem:s7], [sflag:s8] =	dma.local @!p0 [hbm:s6], $0xF7A  }
0x23: {  	s9 =	sor.u32 $0xD0000000, s2;
	s6 =	simm.s32 $0x108;
	_ =	swait.ge @!p0 [sflag:s8], $0x0  }
0x24: {  	s3 =	sadd.s32 $0x88, s3;
	s6 =	simm.s32 @!p1 $0x1082;
	[sflag:s4] =	ssyncset.s32 $0xFFFFF086  }
0x25: {  	[simem:s6], [sflag:s4] =	dma.local [hbm:s3], $0xF7A  }
0x26: {  	[smem:$0x3F99] =	sst s1;
	(tag) =	ssettag s2;
	_ =	strace s9  }
0x27: {  	s1 =	sld [smem:$0x3FA9]  }
0x28: {  	s2 =	sld [smem:$0x3FAA]  }
0x29: {  	s4 =	sld [smem:$0x3FAC]  }
0x2a: {  	p0 =	seq.s32 s5, $0x0;
	s5 =	sld [smem:$0x3FAD]  }
0x2b: {  	s6 =	sld [smem:$0x3FAE]  }
0x2c: {  	s7 =	sld [smem:$0x3FAF]  }
0x2d: {  	s3 =	simm.s32 $0x108;
	s8 =	sld [smem:$0x3FB0]  }
0x2e: {  	s3 =	simm.s32 @!p0 $0x1082;
	s9 =	sld [smem:$0x3FB1]  }
0x2f: {  	lr =	sadd.s32 s0, s3;
	s0 =	sld [smem:$0x3FA8]  }
0x30: {  	s3 =	sld [smem:$0x3FAB]  }
0x31: {  	[smem:$0x3FB4] =	sst s10  }
0x32: {  	s10 =	sld [smem:$0x3FB2];
	_ =	sdelay $0x3  }
0x33: {  	p0 =	seq.s32 s10, $0x1;
	s10 =	sld [smem:$0x3FB4];
	_ =	sdelay $0x3  }
0x34: {  	[smem:$0x3FB4] =	sst s10  }
0x35: {  	s10 =	sld [smem:$0x3FB3];
	_ =	sdelay $0x3  }
0x36: {  	p1 =	seq.s32 s10, $0x1;
	s10 =	sld [smem:$0x3FB4];
	_ =	sdelay $0x3  }
0x37: {  	[smem:$0x3FB4] =	sst s10  }
0x38: {  	s10 =	sld [smem:$0x3FB5]  }
0x39: {  	_ = 	snop;
	(pc) =	sbr.ind lr, $3  }
0x3a: {  	_ = 	snop  }
0x3b: {  	_ = 	snop  }
0x3c: {  	p2 =	seq.s32 s10, $0x1;
	s10 =	sld [smem:$0x3FB4]  }
0x3d: {  	_ =	shalt  }
0x3e: {  	_ =	shalt  }
0x3f: {  	_ =	shalt  }
0x40: {  	_ =	shalt  }
0x41: {  	_ =	shalt  }
0x42: {  	_ =	shalt  }
0x43: {  	_ =	shalt  }
0x44: {  	_ =	shalt  }
0x45: {  	_ =	shalt  }
0x46: {  	_ =	shalt  }
0x47: {  	_ =	shalt  }
0x48: {  	_ =	shalt  }
0x49: {  	_ =	shalt  }
0x4a: {  	_ =	shalt  }
0x4b: {  	_ =	shalt  }
0x4c: {  	_ =	shalt  }
0x4d: {  	_ =	shalt  }
0x4e: {  	_ =	shalt  }
0x4f: {  	_ =	shalt  }
0x50: {  	_ =	shalt  }
0x51: {  	_ =	shalt  }
0x52: {  	_ =	shalt  }
0x53: {  	_ =	shalt  }
0x54: {  	_ =	shalt  }
0x55: {  	_ =	shalt  }
0x56: {  	_ =	shalt  }
0x57: {  	_ =	shalt  }
0x58: {  	_ =	shalt  }
0x59: {  	_ =	shalt  }
0x5a: {  	_ =	shalt  }
0x5b: {  	_ =	shalt  }
0x5c: {  	_ =	shalt  }
0x5d: {  	_ =	shalt  }
0x5e: {  	_ =	shalt  }
0x5f: {  	_ =	shalt  }
0x60: {  	_ =	shalt  }
0x61: {  	_ =	shalt  }
0x62: {  	_ =	shalt  }
0x63: {  	_ =	shalt  }
0x64: {  	_ =	shalt  }
0x65: {  	_ =	shalt  }
0x66: {  	_ =	shalt  }
0x67: {  	_ =	shalt  }
0x68: {  	_ =	shalt  }
0x69: {  	_ =	shalt  }
0x6a: {  	_ =	shalt  }
0x6b: {  	_ =	shalt  }
0x6c: {  	_ =	shalt  }
0x6d: {  	_ =	shalt  }
0x6e: {  	_ =	shalt  }
0x6f: {  	_ =	shalt  }
0x70: {  	_ =	shalt  }
0x71: {  	_ =	shalt  }
0x72: {  	_ =	shalt  }
0x73: {  	_ =	shalt  }
0x74: {  	_ =	shalt  }
0x75: {  	_ =	shalt  }
0x76: {  	_ =	shalt  }
0x77: {  	_ =	shalt  }
0x78: {  	_ =	shalt  }
0x79: {  	_ =	shalt  }
0x7a: {  	_ =	shalt  }
0x7b: {  	_ =	shalt  }
0x7c: {  	_ =	shalt  }
0x7d: {  	_ =	shalt  }
0x7e: {  	_ =	shalt  }
0x7f: {  	_ =	shalt  }
0x80: {  	_ =	shalt  }
0x81: {  	_ =	shalt  }
0x82: {  	_ =	shalt  }
0x83: {  	_ =	shalt  }
0x84: {  	_ =	shalt  }
0x85: {  	_ =	shalt  }
0x86: {  	_ =	shalt  }
0x87: {  	_ =	shalt  }
.Lfunc_end0:
.L_simem_size_0:
called_computation.2_lowered:
.L_overlay_start_0:
0x88: {  	s2 =	sld [smem:$0x3FD9]  }
0x89: {  	s3 =	sld [smem:$0x3FFE];
	_ =	sdelay $0x1  }
0x8a: {  	s1 =	srdreg.scid  }
0x8b: {  	s0 =	sand.u32 $0x1, s1  }
0x8c: {  	s16 =	sshll.u32 s0, $0xA;
	s2 =	sadd.s32 s3, s2  }
0x8d: {  	s2 =	sadd.s32 s2, s16  }
0x8e: {  	[smem:$0x3FC0] =	sst s2  }
0x8f: {  	_ = 	snop  }
0x90: {  	(tm) =	ssettm $0x1  }
0x91: {  	s17 =	sld [smem:$0x3FFB];
	_ =	sdelay $0x3  }
0x92: {  	_ =	strace s17  }
0x93: {  	s2 =	sld [smem:$0x3FFC];
	_ =	sdelay $0x3  }
0x94: {  	_ =	strace s2  }
0x95: {  	s2 =	sld [smem:$0x3FFD];
	_ =	sdelay $0x3  }
0x96: {  	_ =	strace s2  }
0x97: {  	_ =	strace $0x8FFFFFFF  }
0x98: {  	s18 =	sld [smem:$0x3FDB];
	_ =	sdelay $0x1  }
0x99: {  	s19 =	simm.s32 $_scs_section_size  }
0x9a: {  	s4 =	simm.s32 $_size__tile_overlayer_lowered;
	s5 =	simm.s32 $_tile_overlayer_lowered  }
0x9b: {  	s22 =	simm.s32 $0x1BFF;
	s21 =	sshll.u32 s5, $0x1;
	s2 =	sadd.s32 s19, s18  }
0x9c: {  	s6 =	simm.s32 $0x0;
	s20 =	sshll.u32 s4, $0x1;
	s4 =	sadd.s32 s21, s2  }
0x9d: {  	[timem:s6], [sflag:s22] =	dma.local [hbm:s4], s20  }
0x9e: {  	_ =	swait.ge [sflag:s22], s20  }
0x9f: {  	s3 =	ssub.s32 $0x0, s20;
	[sflag:s22] =	ssyncset.done $0x0  }
0xa0: {  	[sflag:s22] =	ssyncadd.s32 s3;
	_ =	sdelay $0x1  }
0xa1: {  	s23 =	simm.s32 $0x1B8B  }
0xa2: {  	_ =	swait.ge [sflag:s23], $0x1  }
0xa3: {  	[sflag:s23] =	ssyncset.done $0x0  }
0xa4: {  	s25 =	simm.s32 $0x1B8E;
	s24 =	sld [smem:$0x3FFE];
	[sflag:s23] =	ssyncadd.s32 $0xFFFFFFFF  }
0xa5: {  	s26 =	simm.s32 $execute0_lowered;
	[smem:$0x3FD2] =	sst s25  }
0xa6: {  	s4 =	sshll.u32 s26, $0x1;
	_ =	strace $0x8000004C;
	[dreg:$0x1] =	wrdreg $0xFFFFFFFF  }
0xa7: {  	s28 =	simm.s32 $_size_execute0_lowered;
	s2 =	sadd.s32 s2, s4;
	[dreg:$0x0] =	wrdreg $0x0  }
0xa8: {  	s4 =	sshll.u32 s28, $0x1;
	[dreg:$0x2] =	wrdreg s2  }
0xa9: {  	[dreg:$0x3] =	wrdreg s4  }
0xaa: {  	[dreg:$0x4] =	wrdreg $0xC0  }
0xab: {  	_ =	task [dreg:s6], $0x5FFFF  }
0xac: {  	[dreg:$0x1] =	wrdreg $0xFFFFFFFF  }
0xad: {  	[dreg:$0x0] =	wrdreg $0x60  }
0xae: {  	[dreg:$0x2] =	wrdreg s24  }
0xaf: {  	[dreg:$0x3] =	wrdreg $0x62200  }
0xb0: {  	[dreg:$0x4] =	wrdreg $0x9  }
0xb1: {  	_ =	task.clear_ibuf [dreg:s6], $0x5FFFF;
	_ =	strace $0x9000004C  }
0xb2: {  	s29 =	simm.s32 $0x9;
	_ =	strace $0x8000004E  }
0xb3: {  	_ =	swait.ge [sflag:s29], $0x1  }
0xb4: {  	[sflag:s29] =	ssyncadd.s32 $0xFFFFFFFF  }
0xb5: {  	_ =	strace $0x9000004E  }
0xb6: {  	_ =	sfence  }
0xb7: {  	s30 =	sld [smem:$0x0];
	_ =	sdelay $0x2  }
0xb8: {  	s31 =	sshll.u32 s1, $0xD;
	s1 =	sshrl.u32 s1, $0x2  }
0xb9: {  	s3 =	sand.u32 $0x4000, s31;
	s1 =	sadd.s32 s1, s30  }
0xba: {  	s0 =	sor.u32 s3, s0;
	s1 =	sshll.u32 s1, $0x11  }
0xbb: {  	s0 =	sor.u32 s1, s0  }
0xbc: {  	s0 =	sadd.s32 $0x8F2B, s0  }
0xbd: {  	[sflag:s0] =	ssyncadd.remote.s32 $0x1  }
0xbe: {  	_ =	sfence.sel $0xFFFF  }
0xbf: {  	[dreg:$0x0] =	wrdreg $0xFFFFFFFF;
	(pc) =	sbr.abs _section_cstart, $3  }
0xc0: {  	[dreg:$0x1] =	wrdreg $0xFFFFFFFF  }
0xc1: {  	_ =	task.clear_ibuf [dreg:s6], $0x2FFFF;
	_ =	strace $0x9FFFFFFF  }
0xc2: {  	(tm) =	ssettm $0x7FFFFFFF  }
0xc3: {  	_ =	shalt  }
tec
execute0_lowered:
.L_overlay_start_1:
0x0: {  	(tag) =	ssettag $0x1  }
0x1: {  	s6 =	rddreg [dreg:$0x0]  }
0x2: {  	s0 =	srdreg.scid;
	s2 =	rddreg [dreg:$0x1];
	s3 =	simm.s32 $0x0  }
0x3: {  	s13 =	simm.s32 $0x2710;
	s14 =	simm.s32 $0x50;
	s15 =	simm.s32 $0x4E20  }
0x4: {  	s16 =	simm.s32 $0x1;
	s17 =	simm.s32 $0x2;
	s18 =	simm.s32 $0x0  }
0x5: {  	s5 =	sand.u32 $0x1, s0;
	s0 =	stileid.u32;
	[smem:$0x7FF] =	sst s3  }
0x6: {  	s4 =	sadd.s32 $0x17A00, s6;
	s1 =	sshll.u32 s5, $0x4;
	s8 =	smul.u32 $0xA000, s0  }
0x7: {  	s9 =	smul.u32 $0xA0000, s5;
	s5 =	ssub.s32 $0x2, s5;
	s1 =	sor.u32 s0, s1  }
0x8: {  	s31 =	sshll.u32 s0, $0x6;
	s11 =	sshrl.u32 s5, $0x1;
	s7 =	smul.u32 $0x4E2, s1  }
0x9: {  	s1 =	rddreg [dreg:$0x2];
	_ =	strace $0x8000004D;
	s30 =	sshrl.u32 s8, $0x3  }
0xa: {  	s9 =	sadd.s32 s8, s9;
	s11 =	ssub.s32 s5, s11;
	s12 =	sadd.s32 s8, s2  }
0xb: {  	s9 =	sshrl.u32 s9, $0x3;
	s10 =	sadd.s32 s7, s6;
	s7 =	sadd.s32 s30, s6  }
0xc: {  	s9 =	sadd.s32 s9, s6;
	s6 =	sor.u32 $0x1C03, s31;
	s5 =	sadd.s32 $0x2BA00, s7  }
0xd: {  	s7 =	sadd.s32 $0x1600, s10;
	s8 =	sadd.s32 $0xB400, s10;
	s9 =	sadd.s32 $0x3FA00, s9  }
0xe: {  	s10 =	smax.u32 s11, $0x1;
	s11 =	sshrl.u32 s12, $0x3;
	s12 =	simm.s32 $0x3  }
.LBB2_1:
0xf: {  	[spmem:s11], [sflag:s6] =	dma.local [hbm:s5], $0x1400  }
0x10: {  	_ =	swait.ge [sflag:s12], $0x1400  }
0x11: {  	[sflag:s12] =	ssyncset.done $0x0  }
0x12: {  	[sflag:s12] =	ssyncadd.s32 $0xFFFFEC00  }
0x13: {  	[tilespmem:s3], [sflag:$0x3] =	stream.linear.gather [hbm4b:s7+s3], $0x2710, $0x38;
	[tilespmem:$0x10220] =	vst v63  }
0x14: {  	_ =	swait.ge [sflag:s12], $0x2710  }
0x15: {  	[sflag:s12] =	ssyncset.done $0x0  }
0x16: {  	[sflag:s12] =	ssyncadd.s32 $0xFFFFD8F0  }
0x17: {  	[tilespmem:s13], [sflag:$0x3] =	stream.linear.gather [hbm4b:s8+s3], $0x2710, $0x38;
	[tilespmem:$0x10220] =	vst v63  }
0x18: {  	_ =	swait.ge [sflag:s12], $0x2710  }
0x19: {  	[sflag:s12] =	ssyncset.done $0x0  }
0x1a: {  	[sflag:s12] =	ssyncadd.s32 $0xFFFFD8F0  }
0x1b: {  	s19 =	simm.s32 $0x0;
	[bflag:$0x0] =	sbarrier.arrive $0xFFFF  }
0x1c: {  	[tilespmem:s15], [sflag:$0x1] =	stream.indirect.gather [hbm4b:s4+s14], $0x40, s19, s14, $0xb8;
	[tilespmem:$0x10220] =	vst v63  }
0x1d: {  	_ =	swait.ge [sflag:s16], $0x1400  }
0x1e: {  	[sflag:s16] =	ssyncset.done $0x0  }
0x1f: {  	s31 =	simm.s32 $0x2710;
	[sflag:s16] =	ssyncadd.s32 $0xFFFFEC00  }
0x20: {  	[spmem:s2] =	stream.indirect.scatter.add.f32 [tilespmem:s15], [sflag:$0x2], $0x40, s31, s14, $0xb8;
	[tilespmem:$0x10220] =	vst v63  }
0x21: {  	_ =	swait.ge [sflag:s17], $0x1400  }
0x22: {  	s20 =	simm.s32 $0x280;
	s19 =	simm.s32 $0x140;
	[sflag:s17] =	ssyncset.done $0x0  }
.LBB2_2:
0x23: {  	s21 =	sshra.s32 s19, $0x2  }
0x24: {  	[sflag:s17] =	ssyncadd.s32 $0xFFFFEC00;
	s19 =	smov.u32 s20;
	s22 =	sadd.s32 $0x140, s20  }
0x25: {  	[tilespmem:s15], [sflag:$0x1] =	stream.indirect.gather [hbm4b:s4+s14], $0x40, s21, s14, $0xb8;
	[tilespmem:$0x10220] =	vst v63  }
0x26: {  	p0 =	sne.s32 s20, $0x9B00;
	_ =	swait.ge [sflag:s16], $0x1400  }
.Ltmp0:
0x27: {  	[sflag:s16] =	ssyncset.done $0x0;
	(pc) =	sbr.rel @p0 .LBB2_2-.Ltmp0, $4  }
0x28: {  	s20 =	sadd.s32 $0x2710, s21;
	[sflag:s16] =	ssyncadd.s32 $0xFFFFEC00  }
0x29: {  	[spmem:s2] =	stream.indirect.scatter.add.f32 [tilespmem:s15], [sflag:$0x2], $0x40, s20, s14, $0xb8;
	[tilespmem:$0x10220] =	vst v63  }
0x2a: {  	_ =	swait.ge [sflag:s17], $0x1400  }
0x2b: {  	s20 =	smov.u32 s22;
	[sflag:s17] =	ssyncset.done $0x0  }
0x2c: {  	s19 =	sshra.s32 s19, $0x2;
	[sflag:s17] =	ssyncadd.s32 $0xFFFFEC00  }
0x2d: {  	[tilespmem:s15], [sflag:$0x1] =	stream.indirect.gather [hbm4b:s4+s14], $0x40, s19, s14, $0xb8;
	[tilespmem:$0x10220] =	vst v63  }
0x2e: {  	_ =	swait.ge [sflag:s16], $0x1400  }
0x2f: {  	[sflag:s16] =	ssyncset.done $0x0  }
0x30: {  	s19 =	sadd.s32 $0x2710, s19;
	[sflag:s16] =	ssyncadd.s32 $0xFFFFEC00  }
0x31: {  	[spmem:s2] =	stream.indirect.scatter.add.f32 [tilespmem:s15], [sflag:$0x2], $0x40, s19, s14, $0xb8;
	[tilespmem:$0x10220] =	vst v63  }
0x32: {  	_ =	swait.ge [sflag:s17], $0x1400  }
0x33: {  	s18 =	sadd.s32 $0x1, s18;
	[sflag:s17] =	ssyncset.done $0x0  }
0x34: {  	p0 =	sne.s32 s18, s10;
	[sflag:s17] =	ssyncadd.s32 $0xFFFFEC00  }
.Ltmp1:
0x35: {  	[bflag:$0x0] =	sbarrier.arrive $0xFFFF;
	(pc) =	sbr.rel @p0 .LBB2_1-.Ltmp1, $4  }
0x36: {  	[hbm:s9], [sflag:s6] =	dma.local [spmem:s11], $0x1400  }
0x37: {  	_ =	swait.ge [sflag:s12], $0x1400  }
0x38: {  	[sflag:s12] =	ssyncset.done $0x0  }
0x39: {  	[sflag:s12] =	ssyncadd.s32 $0xFFFFEC00  }
0x3a: {  	_ =	sfence.sel $0x180000  }
0x3b: {  	[bflag:$0x0] =	sbarrier.arrive $0xFFFF  }
0x3c: {  	p0 =	sne.s32 s0, $0x0;
	_ =	strace $0x9000004D  }
0x3d: {  	s0 =	sadd.s32 @!p0 $0x100000, s1;
	[bflag:$0x2] =	sbarrier.arrive $0xFFFF  }
0x3e: {  	[sflag:s0] =	ssyncadd.tile.s32 @!p0 $0x1;
	_ =	shalt  }
.Lfunc_end2:
_tile_overlayer_lowered:
.L_overlay_start_2:
0x3f: {  	(tag) =	ssettag $0x2  }
0x40: {  	s0 =	rddreg [dreg:$0x0];
	s2 =	stileid.u32  }
0x41: {  	s1 =	rddreg [dreg:$0x1];
	p0 =	sne.s32 s2, $0x0  }
0x42: {  	s3 =	rddreg [dreg:$0x2];
	[bflag:$0x3] =	sbarrier.arrive $0xFFFF;
	s2 =	simm.s32 @!p0 $0x1C03  }
0x43: {  	[timem:s3], [sflag:s2] =	dma.local @!p0 [hbm:s0], s1  }
0x44: {  	s0 =	simm.s32 @!p0 $0x3  }
0x45: {  	_ =	swait.ge @!p0 [sflag:s0], s1  }
0x46: {  	s1 =	ssub.s32 @!p0 $0x0, s1;
	[sflag:s0] =	ssyncset.done @!p0 $0x0  }
0x47: {  	[sflag:s0] =	ssyncadd.s32 @!p0 s1  }
0x48: {  	[bflag:$0x3] =	sbarrier.arrive $0xFFFF  }
0x49: {  	_ =	shalt  }

// kernel: kernel.19.cloned.1.call-start
scs
__scs_entry_jumppad:
0x0: {  	(pc) =	sbr.rel $0x88, $3  }
0x1: {  	(tag) =	ssettag $0x0;
	lr =	simm.s32 $0x1  }
0x2: {  	[smem:$0x3F99] =	sst lr;
	_ =	strace $0xD0000000  }
0x3: {  	_ = 	snop  }
0x4: {  	_ = 	snop  }
0x5: {  	_ = 	snop  }
0x6: {  	_ = 	snop  }
0x7: {  	_ = 	snop  }
__scs_overlays_trampoline_lowered:
0x8: {  	[smem:$0x3FA8] =	sst s0  }
0x9: {  	[smem:$0x3FA9] =	sst s1  }
0xa: {  	[smem:$0x3FAA] =	sst s2  }
0xb: {  	[smem:$0x3FAB] =	sst s3  }
0xc: {  	[smem:$0x3FAC] =	sst s4  }
0xd: {  	[smem:$0x3FAD] =	sst s5  }
0xe: {  	[smem:$0x3FAE] =	sst s6  }
0xf: {  	[smem:$0x3FAF] =	sst s7  }
0x10: {  	[smem:$0x3FB0] =	sst s8  }
0x11: {  	[smem:$0x3FB1] =	sst s9;
	s0 =	simm.s32 @!p0 $0x0  }
0x12: {  	s1 =	sld [smem:$0x3F97];
	s0 =	simm.s32 @p0 $0x1  }
0x13: {  	[smem:$0x3FB2] =	sst s0;
	s0 =	simm.s32 @!p1 $0x0  }
0x14: {  	s2 =	sld [smem:$0x3F96];
	s0 =	simm.s32 @p1 $0x1  }
0x15: {  	[smem:$0x3FB3] =	sst s0;
	s0 =	simm.s32 @!p2 $0x0  }
0x16: {  	s3 =	sld [smem:$0x3FDB];
	s0 =	simm.s32 @p2 $0x1  }
0x17: {  	s4 =	simm.s32 $0x1BF5;
	[smem:$0x3FB5] =	sst s0  }
0x18: {  	s0 =	sld [smem:$0x3F98];
	_ =	swait.ge [sflag:s4], $0x0  }
0x19: {  	s7 =	sld [smem:$0x3F99]  }
0x1a: {  	s8 =	sadd.s32 $0xFFFFE003, lr  }
0x1b: {  	s9 =	sadd.s32 $0xFFFFFEF7, lr;
	s5 =	simm.s32 $0xFFFFFFFF;
	p2 =	slt.u32 s8, $0xFFFFF086  }
0x1c: {  	p1 =	slt.u32 s9, $0xF7A;
	s5 =	simm.s32 @!p2 $0x0  }
0x1d: {  	s5 =	simm.s32 @p1 $0x1;
	p0 =	seq.s32 s7, s2  }
0x1e: {  	s7 =	smul.u32 @!p0 $0xF7A, s2;
	p2 =	seq.s32 @!p0 s5, $0x0  }
0x1f: {  	s9 =	smul.u32 $0xF7A, s1;
	s8 =	simm.s32 @!p0 $0x1BF5;
	p2 =	por !p2, p0  }
0x20: {  	[sflag:s8] =	ssyncset.s32 @!p0 $0xFFFFF086;
	s6 =	sadd.s32 @!p0 s3, s7;
	s7 =	simm.s32 @!p0 $0x108  }
0x21: {  	s3 =	sadd.s32 s3, s9;
	s6 =	sadd.s32 @!p0 $0x88, s6;
	s7 =	simm.s32 @p2 $0x1082  }
0x22: {  	[simem:s7], [sflag:s8] =	dma.local @!p0 [hbm:s6], $0xF7A  }
0x23: {  	s9 =	sor.u32 $0xD0000000, s2;
	s6 =	simm.s32 $0x108;
	_ =	swait.ge @!p0 [sflag:s8], $0x0  }
0x24: {  	s3 =	sadd.s32 $0x88, s3;
	s6 =	simm.s32 @!p1 $0x1082;
	[sflag:s4] =	ssyncset.s32 $0xFFFFF086  }
0x25: {  	[simem:s6], [sflag:s4] =	dma.local [hbm:s3], $0xF7A  }
0x26: {  	[smem:$0x3F99] =	sst s1;
	(tag) =	ssettag s2;
	_ =	strace s9  }
0x27: {  	s1 =	sld [smem:$0x3FA9]  }
0x28: {  	s2 =	sld [smem:$0x3FAA]  }
0x29: {  	s4 =	sld [smem:$0x3FAC]  }
0x2a: {  	p0 =	seq.s32 s5, $0x0;
	s5 =	sld [smem:$0x3FAD]  }
0x2b: {  	s6 =	sld [smem:$0x3FAE]  }
0x2c: {  	s7 =	sld [smem:$0x3FAF]  }
0x2d: {  	s3 =	simm.s32 $0x108;
	s8 =	sld [smem:$0x3FB0]  }
0x2e: {  	s3 =	simm.s32 @!p0 $0x1082;
	s9 =	sld [smem:$0x3FB1]  }
0x2f: {  	lr =	sadd.s32 s0, s3;
	s0 =	sld [smem:$0x3FA8]  }
0x30: {  	s3 =	sld [smem:$0x3FAB]  }
0x31: {  	[smem:$0x3FB4] =	sst s10  }
0x32: {  	s10 =	sld [smem:$0x3FB2];
	_ =	sdelay $0x3  }
0x33: {  	p0 =	seq.s32 s10, $0x1;
	s10 =	sld [smem:$0x3FB4];
	_ =	sdelay $0x3  }
0x34: {  	[smem:$0x3FB4] =	sst s10  }
0x35: {  	s10 =	sld [smem:$0x3FB3];
	_ =	sdelay $0x3  }
0x36: {  	p1 =	seq.s32 s10, $0x1;
	s10 =	sld [smem:$0x3FB4];
	_ =	sdelay $0x3  }
0x37: {  	[smem:$0x3FB4] =	sst s10  }
0x38: {  	s10 =	sld [smem:$0x3FB5]  }
0x39: {  	_ = 	snop;
	(pc) =	sbr.ind lr, $3  }
0x3a: {  	_ = 	snop  }
0x3b: {  	_ = 	snop  }
0x3c: {  	p2 =	seq.s32 s10, $0x1;
	s10 =	sld [smem:$0x3FB4]  }
0x3d: {  	_ =	shalt  }
0x3e: {  	_ =	shalt  }
0x3f: {  	_ =	shalt  }
0x40: {  	_ =	shalt  }
0x41: {  	_ =	shalt  }
0x42: {  	_ =	shalt  }
0x43: {  	_ =	shalt  }
0x44: {  	_ =	shalt  }
0x45: {  	_ =	shalt  }
0x46: {  	_ =	shalt  }
0x47: {  	_ =	shalt  }
0x48: {  	_ =	shalt  }
0x49: {  	_ =	shalt  }
0x4a: {  	_ =	shalt  }
0x4b: {  	_ =	shalt  }
0x4c: {  	_ =	shalt  }
0x4d: {  	_ =	shalt  }
0x4e: {  	_ =	shalt  }
0x4f: {  	_ =	shalt  }
0x50: {  	_ =	shalt  }
0x51: {  	_ =	shalt  }
0x52: {  	_ =	shalt  }
0x53: {  	_ =	shalt  }
0x54: {  	_ =	shalt  }
0x55: {  	_ =	shalt  }
0x56: {  	_ =	shalt  }
0x57: {  	_ =	shalt  }
0x58: {  	_ =	shalt  }
0x59: {  	_ =	shalt  }
0x5a: {  	_ =	shalt  }
0x5b: {  	_ =	shalt  }
0x5c: {  	_ =	shalt  }
0x5d: {  	_ =	shalt  }
0x5e: {  	_ =	shalt  }
0x5f: {  	_ =	shalt  }
0x60: {  	_ =	shalt  }
0x61: {  	_ =	shalt  }
0x62: {  	_ =	shalt  }
0x63: {  	_ =	shalt  }
0x64: {  	_ =	shalt  }
0x65: {  	_ =	shalt  }
0x66: {  	_ =	shalt  }
0x67: {  	_ =	shalt  }
0x68: {  	_ =	shalt  }
0x69: {  	_ =	shalt  }
0x6a: {  	_ =	shalt  }
0x6b: {  	_ =	shalt  }
0x6c: {  	_ =	shalt  }
0x6d: {  	_ =	shalt  }
0x6e: {  	_ =	shalt  }
0x6f: {  	_ =	shalt  }
0x70: {  	_ =	shalt  }
0x71: {  	_ =	shalt  }
0x72: {  	_ =	shalt  }
0x73: {  	_ =	shalt  }
0x74: {  	_ =	shalt  }
0x75: {  	_ =	shalt  }
0x76: {  	_ =	shalt  }
0x77: {  	_ =	shalt  }
0x78: {  	_ =	shalt  }
0x79: {  	_ =	shalt  }
0x7a: {  	_ =	shalt  }
0x7b: {  	_ =	shalt  }
0x7c: {  	_ =	shalt  }
0x7d: {  	_ =	shalt  }
0x7e: {  	_ =	shalt  }
0x7f: {  	_ =	shalt  }
0x80: {  	_ =	shalt  }
0x81: {  	_ =	shalt  }
0x82: {  	_ =	shalt  }
0x83: {  	_ =	shalt  }
0x84: {  	_ =	shalt  }
0x85: {  	_ =	shalt  }
0x86: {  	_ =	shalt  }
0x87: {  	_ =	shalt  }
.Lfunc_end0:
.L_simem_size_0:
called_computation.3_lowered:
.L_overlay_start_0:
0x88: {  	s2 =	sld [smem:$0x3FD9]  }
0x89: {  	s3 =	sld [smem:$0x3FFE];
	_ =	sdelay $0x1  }
0x8a: {  	s1 =	srdreg.scid  }
0x8b: {  	s0 =	sand.u32 $0x1, s1  }
0x8c: {  	s16 =	sshll.u32 s0, $0xA;
	s2 =	sadd.s32 s3, s2  }
0x8d: {  	s2 =	sadd.s32 s2, s16  }
0x8e: {  	[smem:$0x3FC0] =	sst s2  }
0x8f: {  	_ = 	snop  }
0x90: {  	(tm) =	ssettm $0x1  }
0x91: {  	s17 =	sld [smem:$0x3FFB];
	_ =	sdelay $0x3  }
0x92: {  	_ =	strace s17  }
0x93: {  	s2 =	sld [smem:$0x3FFC];
	_ =	sdelay $0x3  }
0x94: {  	_ =	strace s2  }
0x95: {  	s2 =	sld [smem:$0x3FFD];
	_ =	sdelay $0x3  }
0x96: {  	_ =	strace s2  }
0x97: {  	_ =	strace $0x8FFFFFFF  }
0x98: {  	s18 =	sld [smem:$0x3FDB];
	_ =	sdelay $0x1  }
0x99: {  	s19 =	simm.s32 $_scs_section_size  }
0x9a: {  	s4 =	simm.s32 $_size__tile_overlayer_lowered;
	s5 =	simm.s32 $_tile_overlayer_lowered  }
0x9b: {  	s22 =	simm.s32 $0x1BFF;
	s21 =	sshll.u32 s5, $0x1;
	s2 =	sadd.s32 s19, s18  }
0x9c: {  	s6 =	simm.s32 $0x0;
	s20 =	sshll.u32 s4, $0x1;
	s4 =	sadd.s32 s21, s2  }
0x9d: {  	[timem:s6], [sflag:s22] =	dma.local [hbm:s4], s20  }
0x9e: {  	_ =	swait.ge [sflag:s22], s20  }
0x9f: {  	s3 =	ssub.s32 $0x0, s20;
	[sflag:s22] =	ssyncset.done $0x0  }
0xa0: {  	[sflag:s22] =	ssyncadd.s32 s3;
	_ =	sdelay $0x1  }
0xa1: {  	s23 =	simm.s32 $0x1B8B  }
0xa2: {  	_ =	swait.ge [sflag:s23], $0x1  }
0xa3: {  	[sflag:s23] =	ssyncset.done $0x0  }
0xa4: {  	s25 =	simm.s32 $0x1B8E;
	s24 =	sld [smem:$0x3FFE];
	[sflag:s23] =	ssyncadd.s32 $0xFFFFFFFF  }
0xa5: {  	s26 =	simm.s32 $execute0_lowered;
	[smem:$0x3FD2] =	sst s25  }
0xa6: {  	s4 =	sshll.u32 s26, $0x1;
	_ =	strace $0x8000004F;
	[dreg:$0x1] =	wrdreg $0xFFFFFFFF  }
0xa7: {  	s28 =	simm.s32 $_size_execute0_lowered;
	s2 =	sadd.s32 s2, s4;
	[dreg:$0x0] =	wrdreg $0x0  }
0xa8: {  	s4 =	sshll.u32 s28, $0x1;
	[dreg:$0x2] =	wrdreg s2  }
0xa9: {  	[dreg:$0x3] =	wrdreg s4  }
0xaa: {  	[dreg:$0x4] =	wrdreg $0xC0  }
0xab: {  	_ =	task [dreg:s6], $0x5FFFF  }
0xac: {  	[dreg:$0x1] =	wrdreg $0xFFFFFFFF  }
0xad: {  	[dreg:$0x0] =	wrdreg $0x60  }
0xae: {  	[dreg:$0x2] =	wrdreg s24  }
0xaf: {  	[dreg:$0x3] =	wrdreg $0x50A00  }
0xb0: {  	[dreg:$0x4] =	wrdreg $0x9  }
0xb1: {  	_ =	task.clear_ibuf [dreg:s6], $0x5FFFF;
	_ =	strace $0x9000004F  }
0xb2: {  	s29 =	simm.s32 $0x9;
	_ =	strace $0x80000051  }
0xb3: {  	_ =	swait.ge [sflag:s29], $0x1  }
0xb4: {  	[sflag:s29] =	ssyncadd.s32 $0xFFFFFFFF  }
0xb5: {  	_ =	strace $0x90000051  }
0xb6: {  	_ =	sfence  }
0xb7: {  	s30 =	sld [smem:$0x0];
	_ =	sdelay $0x2  }
0xb8: {  	s31 =	sshll.u32 s1, $0xD;
	s1 =	sshrl.u32 s1, $0x2  }
0xb9: {  	s3 =	sand.u32 $0x4000, s31;
	s1 =	sadd.s32 s1, s30  }
0xba: {  	s0 =	sor.u32 s3, s0;
	s1 =	sshll.u32 s1, $0x11  }
0xbb: {  	s0 =	sor.u32 s1, s0  }
0xbc: {  	s0 =	sadd.s32 $0x8F2B, s0  }
0xbd: {  	[sflag:s0] =	ssyncadd.remote.s32 $0x1  }
0xbe: {  	_ =	sfence.sel $0xFFFF  }
0xbf: {  	[dreg:$0x0] =	wrdreg $0xFFFFFFFF;
	(pc) =	sbr.abs _section_cstart, $3  }
0xc0: {  	[dreg:$0x1] =	wrdreg $0xFFFFFFFF  }
0xc1: {  	_ =	task.clear_ibuf [dreg:s6], $0x2FFFF;
	_ =	strace $0x9FFFFFFF  }
0xc2: {  	(tm) =	ssettm $0x7FFFFFFF  }
0xc3: {  	_ =	shalt  }
tec
execute0_lowered:
.L_overlay_start_1:
0x0: {  	(tag) =	ssettag $0x1  }
0x1: {  	s6 =	rddreg [dreg:$0x0]  }
0x2: {  	s0 =	srdreg.scid;
	s2 =	rddreg [dreg:$0x1];
	s3 =	simm.s32 $0x0  }
0x3: {  	s13 =	simm.s32 $0x2710;
	s14 =	simm.s32 $0x50;
	s15 =	simm.s32 $0x4E20  }
0x4: {  	s16 =	simm.s32 $0x1;
	s17 =	simm.s32 $0x2;
	s18 =	simm.s32 $0x0  }
0x5: {  	s5 =	sand.u32 $0x1, s0;
	s0 =	stileid.u32;
	[smem:$0x7FF] =	sst s3  }
0x6: {  	s4 =	sadd.s32 $0x17A00, s6;
	s1 =	sshll.u32 s5, $0x4;
	s8 =	smul.u32 $0x1400, s0  }
0x7: {  	s9 =	smul.u32 $0x14000, s5;
	s5 =	ssub.s32 $0x2, s5;
	s1 =	sor.u32 s0, s1  }
0x8: {  	s31 =	sshll.u32 s0, $0x6;
	s11 =	sshrl.u32 s5, $0x1;
	s7 =	smul.u32 $0x4E2, s1  }
0x9: {  	s1 =	rddreg [dreg:$0x2];
	_ =	strace $0x80000050;
	s30 =	sshrl.u32 s8, $0x3  }
0xa: {  	s9 =	sadd.s32 s8, s9;
	s11 =	ssub.s32 s5, s11;
	s12 =	sadd.s32 s8, s2  }
0xb: {  	s9 =	sshrl.u32 s9, $0x3;
	s10 =	sadd.s32 s7, s6;
	s7 =	sadd.s32 s30, s6  }
0xc: {  	s9 =	sadd.s32 s9, s6;
	s6 =	sor.u32 $0x1C03, s31;
	s5 =	sadd.s32 $0x15200, s7  }
0xd: {  	s7 =	sadd.s32 $0x1600, s10;
	s8 =	sadd.s32 $0xB400, s10;
	s9 =	sadd.s32 $0x1A200, s9  }
0xe: {  	s10 =	smax.u32 s11, $0x1;
	s11 =	sshrl.u32 s12, $0x3;
	s12 =	simm.s32 $0x3  }
.LBB2_1:
0xf: {  	[spmem:s11], [sflag:s6] =	dma.local [hbm:s5], $0x280  }
0x10: {  	_ =	swait.ge [sflag:s12], $0x280  }
0x11: {  	[sflag:s12] =	ssyncset.done $0x0  }
0x12: {  	[sflag:s12] =	ssyncadd.s32 $0xFFFFFD80  }
0x13: {  	[tilespmem:s3], [sflag:$0x3] =	stream.linear.gather [hbm4b:s7+s3], $0x2710, $0x38;
	[tilespmem:$0x64A0] =	vst v63  }
0x14: {  	_ =	swait.ge [sflag:s12], $0x2710  }
0x15: {  	[sflag:s12] =	ssyncset.done $0x0  }
0x16: {  	[sflag:s12] =	ssyncadd.s32 $0xFFFFD8F0  }
0x17: {  	[tilespmem:s13], [sflag:$0x3] =	stream.linear.gather [hbm4b:s8+s3], $0x2710, $0x38;
	[tilespmem:$0x64A0] =	vst v63  }
0x18: {  	_ =	swait.ge [sflag:s12], $0x2710  }
0x19: {  	[sflag:s12] =	ssyncset.done $0x0  }
0x1a: {  	[sflag:s12] =	ssyncadd.s32 $0xFFFFD8F0  }
0x1b: {  	s19 =	simm.s32 $0x0;
	[bflag:$0x0] =	sbarrier.arrive $0xFFFF  }
0x1c: {  	[tilespmem:s15], [sflag:$0x1] =	stream.indirect.gather [hbm4b:s4+s14], $0x8, s19, s14, $0xb8;
	[tilespmem:$0x64A0] =	vst v63  }
0x1d: {  	_ =	swait.ge [sflag:s16], $0x280  }
0x1e: {  	[sflag:s16] =	ssyncset.done $0x0  }
0x1f: {  	s31 =	simm.s32 $0x2710;
	[sflag:s16] =	ssyncadd.s32 $0xFFFFFD80  }
0x20: {  	[spmem:s2] =	stream.indirect.scatter.add.f32 [tilespmem:s15], [sflag:$0x2], $0x8, s31, s14, $0xb8;
	[tilespmem:$0x64A0] =	vst v63  }
0x21: {  	_ =	swait.ge [sflag:s17], $0x280  }
0x22: {  	s20 =	simm.s32 $0x280;
	s19 =	simm.s32 $0x140;
	[sflag:s17] =	ssyncset.done $0x0  }
.LBB2_2:
0x23: {  	s21 =	sshra.s32 s19, $0x2  }
0x24: {  	[sflag:s17] =	ssyncadd.s32 $0xFFFFFD80;
	s19 =	smov.u32 s20;
	s22 =	sadd.s32 $0x140, s20  }
0x25: {  	[tilespmem:s15], [sflag:$0x1] =	stream.indirect.gather [hbm4b:s4+s14], $0x8, s21, s14, $0xb8;
	[tilespmem:$0x64A0] =	vst v63  }
0x26: {  	p0 =	sne.s32 s20, $0x9B00;
	_ =	swait.ge [sflag:s16], $0x280  }
.Ltmp0:
0x27: {  	[sflag:s16] =	ssyncset.done $0x0;
	(pc) =	sbr.rel @p0 .LBB2_2-.Ltmp0, $4  }
0x28: {  	s20 =	sadd.s32 $0x2710, s21;
	[sflag:s16] =	ssyncadd.s32 $0xFFFFFD80  }
0x29: {  	[spmem:s2] =	stream.indirect.scatter.add.f32 [tilespmem:s15], [sflag:$0x2], $0x8, s20, s14, $0xb8;
	[tilespmem:$0x64A0] =	vst v63  }
0x2a: {  	_ =	swait.ge [sflag:s17], $0x280  }
0x2b: {  	s20 =	smov.u32 s22;
	[sflag:s17] =	ssyncset.done $0x0  }
0x2c: {  	s19 =	sshra.s32 s19, $0x2;
	[sflag:s17] =	ssyncadd.s32 $0xFFFFFD80  }
0x2d: {  	[tilespmem:s15], [sflag:$0x1] =	stream.indirect.gather [hbm4b:s4+s14], $0x8, s19, s14, $0xb8;
	[tilespmem:$0x64A0] =	vst v63  }
0x2e: {  	_ =	swait.ge [sflag:s16], $0x280  }
0x2f: {  	[sflag:s16] =	ssyncset.done $0x0  }
0x30: {  	s19 =	sadd.s32 $0x2710, s19;
	[sflag:s16] =	ssyncadd.s32 $0xFFFFFD80  }
0x31: {  	[spmem:s2] =	stream.indirect.scatter.add.f32 [tilespmem:s15], [sflag:$0x2], $0x8, s19, s14, $0xb8;
	[tilespmem:$0x64A0] =	vst v63  }
0x32: {  	_ =	swait.ge [sflag:s17], $0x280  }
0x33: {  	s18 =	sadd.s32 $0x1, s18;
	[sflag:s17] =	ssyncset.done $0x0  }
0x34: {  	p0 =	sne.s32 s18, s10;
	[sflag:s17] =	ssyncadd.s32 $0xFFFFFD80  }
.Ltmp1:
0x35: {  	[bflag:$0x0] =	sbarrier.arrive $0xFFFF;
	(pc) =	sbr.rel @p0 .LBB2_1-.Ltmp1, $4  }
0x36: {  	[hbm:s9], [sflag:s6] =	dma.local [spmem:s11], $0x280  }
0x37: {  	_ =	swait.ge [sflag:s12], $0x280  }
0x38: {  	[sflag:s12] =	ssyncset.done $0x0  }
0x39: {  	[sflag:s12] =	ssyncadd.s32 $0xFFFFFD80  }
0x3a: {  	_ =	sfence.sel $0x180000  }
0x3b: {  	[bflag:$0x0] =	sbarrier.arrive $0xFFFF  }
0x3c: {  	p0 =	sne.s32 s0, $0x0;
	_ =	strace $0x90000050  }
0x3d: {  	s0 =	sadd.s32 @!p0 $0x100000, s1;
	[bflag:$0x2] =	sbarrier.arrive $0xFFFF  }
0x3e: {  	[sflag:s0] =	ssyncadd.tile.s32 @!p0 $0x1;
	_ =	shalt  }
.Lfunc_end2:
_tile_overlayer_lowered:
.L_overlay_start_2:
0x3f: {  	(tag) =	ssettag $0x2  }
0x40: {  	s0 =	rddreg [dreg:$0x0];
	s2 =	stileid.u32  }
0x41: {  	s1 =	rddreg [dreg:$0x1];
	p0 =	sne.s32 s2, $0x0  }
0x42: {  	s3 =	rddreg [dreg:$0x2];
	[bflag:$0x3] =	sbarrier.arrive $0xFFFF;
	s2 =	simm.s32 @!p0 $0x1C03  }
0x43: {  	[timem:s3], [sflag:s2] =	dma.local @!p0 [hbm:s0], s1  }
0x44: {  	s0 =	simm.s32 @!p0 $0x3  }
0x45: {  	_ =	swait.ge @!p0 [sflag:s0], s1  }
0x46: {  	s1 =	ssub.s32 @!p0 $0x0, s1;
	[sflag:s0] =	ssyncset.done @!p0 $0x0  }
0x47: {  	[sflag:s0] =	ssyncadd.s32 @!p0 s1  }
0x48: {  	[bflag:$0x3] =	sbarrier.arrive $0xFFFF  }
0x49: {  	_ =	shalt  }

</sc_bundles>
